<compile_context>
chip_gen: v7x
topology: tpu7x:2x2x1
jax: 0.10.2.dev20260603
libtpu: 0.0.44.dev20260713+nightly
codegen_flags: <defaults>
</compile_context>

<pallas_src>
import functools

import jax
import jax.numpy as jnp
from jax import lax
from jax.experimental import pallas as pl
from jax.experimental.pallas import tpu as pltpu
from jax.experimental.pallas import tpu_sc as plsc

N = 262144
C = 100
NC = 2
NS = 16
NW = NC * NS
CPW = N // NW
Q = 256
NG = CPW // Q
NBUF = 2
T = NG // NBUF
VPR = Q // 16


def _body(feat_hbm, fill2_hbm, out_hbm, ins0, ins1, outs0, outs1, fillv,
          lsem0, lsem1, ssem0, ssem1):
    ins = (ins0, ins1)
    outs = (outs0, outs1)
    lsems = (lsem0, lsem1)
    ssems = (ssem0, ssem1)

    wid = lax.axis_index("s") * NC + lax.axis_index("c")
    base = wid * CPW
    pltpu.sync_copy(fill2_hbm, fillv)

    def in_slice(g):
        return feat_hbm.at[:, pl.ds(pl.multiple_of(base + g * Q, 128), Q)]

    def out_slice(g):
        return out_hbm.at[:, pl.ds(pl.multiple_of(base + g * Q, 128), Q)]

    def compute(b):
        def row(c, carry):
            f = fillv[c, pl.ds(0, 16)]
            for k in range(VPR):
                x = ins[b][c, pl.ds(16 * k, 16)]
                outs[b][c, pl.ds(16 * k, 16)] = jnp.where(x != x, f, x)
            return carry
        lax.fori_loop(0, C, row, 0)

    for b in range(NBUF):
        pltpu.make_async_copy(in_slice(b), ins[b], lsems[b]).start()

    for b in range(NBUF):
        g = b
        pltpu.make_async_copy(in_slice(g), ins[b], lsems[b]).wait()
        compute(b)
        pltpu.make_async_copy(outs[b], out_slice(g), ssems[b]).start()
        pltpu.make_async_copy(in_slice(g + NBUF), ins[b], lsems[b]).start()

    def round_body(t, carry):
        for b in range(NBUF):
            g = t * NBUF + b
            pltpu.make_async_copy(in_slice(g), ins[b], lsems[b]).wait()
            pltpu.make_async_copy(outs[b], out_slice(g - NBUF), ssems[b]).wait()
            compute(b)
            pltpu.make_async_copy(outs[b], out_slice(g), ssems[b]).start()
            pltpu.make_async_copy(in_slice(g + NBUF), ins[b], lsems[b]).start()
        return carry

    lax.fori_loop(1, T - 1, round_body, 0)

    for b in range(NBUF):
        g = (T - 1) * NBUF + b
        pltpu.make_async_copy(in_slice(g), ins[b], lsems[b]).wait()
        pltpu.make_async_copy(outs[b], out_slice(g - NBUF), ssems[b]).wait()
        compute(b)
        pltpu.make_async_copy(outs[b], out_slice(g), ssems[b]).start()

    for b in range(NBUF):
        g = (T - 1) * NBUF + b
        pltpu.make_async_copy(outs[b], out_slice(g), ssems[b]).wait()


@jax.jit
def _sc_fill(feat_t, fill2):
    mesh = plsc.VectorSubcoreMesh(core_axis_name="c", subcore_axis_name="s")
    fn = functools.partial(
        pl.kernel,
        mesh=mesh,
        out_type=jax.ShapeDtypeStruct((C, N), jnp.float32),
        scratch_types=[
            pltpu.VMEM((C, Q), jnp.float32),
            pltpu.VMEM((C, Q), jnp.float32),
            pltpu.VMEM((C, Q), jnp.float32),
            pltpu.VMEM((C, Q), jnp.float32),
            pltpu.VMEM((C, 16), jnp.float32),
            pltpu.SemaphoreType.DMA,
            pltpu.SemaphoreType.DMA,
            pltpu.SemaphoreType.DMA,
            pltpu.SemaphoreType.DMA,
        ],
    )(_body)
    return fn(feat_t, fill2)


def kernel(feat, fill_values):
    fv = jnp.where(jnp.isnan(fill_values), 0.0, fill_values)
    fill2 = jnp.tile(fv[:, None], (1, 16))
    return _sc_fill(feat.T, fill2).T

# --- scband reference (transcript-rebuilt; emitter-appended) ---
"""Pipeline reference for scband-table-transform-68058051772672 (READ-ONLY COPY).

The authoritative reference and input builder live on the scoring server;
editing this copy changes nothing except your own understanding.
"""

import jax, jax.numpy as jnp
import numpy as np

N = 262144
C = 100


def setup_inputs(seed: int = 0) -> dict:
    key = jax.random.key(seed)
    k1, k2, k3 = jax.random.split(key, 3)
    feat = jax.random.normal(k1, (N, C), dtype=jnp.float32)
    # Inject ~5% NaNs to emulate missing values in the table
    na_mask = jax.random.bernoulli(k2, 0.05, (N, C))
    feat = jnp.where(na_mask, jnp.nan, feat)
    # Per-column imputation statistics (e.g. column means), analogous to
    # stats_list[col][StatType.MEAN] gathered into a tensor as in _fill_nan.
    fill_values = jax.random.normal(k3, (C,), dtype=jnp.float32)
    return {"feat": feat, "fill_values": fill_values}


def reference(feat, fill_values):
    # TableTransform.nan_forward -> _fill_nan (2-D branch) for numerical cols:
    #   na_mask = isnan(feat); feat = where(na_mask, fill_values, feat)
    # followed by torch.nan_to_num(feat, nan=0).
    # transforms list is empty, so forward returns the imputed features.
    na_mask = jnp.isnan(feat)
    filled = jnp.where(na_mask, fill_values, feat)
    out = jnp.nan_to_num(filled, nan=0.0)
    return out

if __name__ == "__main__":
    import jax
    _d = setup_inputs()
    print(jax.jit(kernel)(*tuple(_d.values())))

</pallas_src>

<mosaic_0001>
#map = affine_map<(d0, d1) -> (0, 0)>
module attributes {stable_mosaic.version = 14 : i64} {
  func.func @_body(%arg0: i32, %arg1: i32, %arg2: memref<100x262144xf32, #tpu.memory_space<hbm>>, %arg3: memref<100x16xf32, #tpu.memory_space<hbm>>, %arg4: memref<100x262144xf32, #tpu.memory_space<hbm>>, %arg5: memref<100x256xf32, #tpu.memory_space<vmem>>, %arg6: memref<100x256xf32, #tpu.memory_space<vmem>>, %arg7: memref<100x256xf32, #tpu.memory_space<vmem>>, %arg8: memref<100x256xf32, #tpu.memory_space<vmem>>, %arg9: memref<100x16xf32, #tpu.memory_space<vmem>>, %arg10: memref<!tpu.dma_semaphore, #tpu.memory_space<semaphore_mem>>, %arg11: memref<!tpu.dma_semaphore, #tpu.memory_space<semaphore_mem>>, %arg12: memref<!tpu.dma_semaphore, #tpu.memory_space<semaphore_mem>>, %arg13: memref<!tpu.dma_semaphore, #tpu.memory_space<semaphore_mem>>) attributes {dimension_semantics = [#tpu.dimension_semantics<core_parallel>, #tpu.dimension_semantics<subcore_parallel>], iteration_bounds = array<i64: 2, 16>, scalar_prefetch = 0 : i64, scratch_operands = 9 : i64, tpu.core_type = #tpu.core_type<sc_vector_subcore>, window_params = [{transform_indices = #map}, {transform_indices = #map}, {transform_indices = #map}]} {
    %mul3A = arith.constant 2 : i32
    %mul3A_0 = arith.muli %arg1, %mul3A : i32
    %add3A = arith.addi %mul3A_0, %arg0 : i32
    %mul3A_1 = arith.constant 8192 : i32
    %mul3A_2 = arith.muli %add3A, %mul3A_1 : i32
    "tpu.region"() ({
      %run_scoped3A = tpu.sem_alloc : memref<!tpu.dma_semaphore, #tpu.memory_space<semaphore_mem>>
      tpu.enqueue_dma source(%arg3 : memref<100x16xf32, #tpu.memory_space<hbm>>) target(%arg9 : memref<100x16xf32, #tpu.memory_space<vmem>>) target_semaphore(%run_scoped3A : memref<!tpu.dma_semaphore, #tpu.memory_space<semaphore_mem>>)
      tpu.wait_dma2 semaphore(%run_scoped3A : memref<!tpu.dma_semaphore, #tpu.memory_space<semaphore_mem>>) src(%arg3 : memref<100x16xf32, #tpu.memory_space<hbm>>) dst(%arg9 : memref<100x16xf32, #tpu.memory_space<vmem>>)
      tpu.yield
    }) : () -> ()
    %add3A_3 = arith.constant 0 : i32
    %add3A_4 = arith.addi %mul3A_2, %add3A_3 : i32
    %multiple_of3A = tpu.assume_multiple %add3A_4, 128 : i32
    %dma_start3A = arith.constant 0 : i32
    %dma_start3A_5 = tpu.memref_slice %arg2[%dma_start3A, %multiple_of3A] : memref<100x262144xf32, #tpu.memory_space<hbm>> -> memref<100x256xf32, #tpu.memory_space<hbm>>
    %dma_start3A_6 = arith.constant 0 : i32
    %dma_start3A_7 = tpu.memref_slice %arg2[%dma_start3A_6, %multiple_of3A] : memref<100x262144xf32, #tpu.memory_space<hbm>> -> memref<100x256xf32, #tpu.memory_space<hbm>>
    tpu.enqueue_dma source(%dma_start3A_7 : memref<100x256xf32, #tpu.memory_space<hbm>>) target(%arg5 : memref<100x256xf32, #tpu.memory_space<vmem>>) target_semaphore(%arg10 : memref<!tpu.dma_semaphore, #tpu.memory_space<semaphore_mem>>)
    %add3A_8 = arith.constant 256 : i32
    %add3A_9 = arith.addi %mul3A_2, %add3A_8 : i32
    %multiple_of3A_10 = tpu.assume_multiple %add3A_9, 128 : i32
    %dma_start3A_11 = arith.constant 0 : i32
    %dma_start3A_12 = tpu.memref_slice %arg2[%dma_start3A_11, %multiple_of3A_10] : memref<100x262144xf32, #tpu.memory_space<hbm>> -> memref<100x256xf32, #tpu.memory_space<hbm>>
    %dma_start3A_13 = arith.constant 0 : i32
    %dma_start3A_14 = tpu.memref_slice %arg2[%dma_start3A_13, %multiple_of3A_10] : memref<100x262144xf32, #tpu.memory_space<hbm>> -> memref<100x256xf32, #tpu.memory_space<hbm>>
    tpu.enqueue_dma source(%dma_start3A_14 : memref<100x256xf32, #tpu.memory_space<hbm>>) target(%arg6 : memref<100x256xf32, #tpu.memory_space<vmem>>) target_semaphore(%arg11 : memref<!tpu.dma_semaphore, #tpu.memory_space<semaphore_mem>>)
    %add3A_15 = arith.constant 0 : i32
    %add3A_16 = arith.addi %mul3A_2, %add3A_15 : i32
    %multiple_of3A_17 = tpu.assume_multiple %add3A_16, 128 : i32
    %dma_wait3A = arith.constant 0 : i32
    %dma_wait3A_18 = tpu.memref_slice %arg2[%dma_wait3A, %multiple_of3A_17] : memref<100x262144xf32, #tpu.memory_space<hbm>> -> memref<100x256xf32, #tpu.memory_space<hbm>>
    %dma_wait3A_19 = arith.constant 0 : i32
    %dma_wait3A_20 = tpu.memref_slice %arg2[%dma_wait3A_19, %multiple_of3A_17] : memref<100x262144xf32, #tpu.memory_space<hbm>> -> memref<100x256xf32, #tpu.memory_space<hbm>>
    tpu.wait_dma2 semaphore(%arg10 : memref<!tpu.dma_semaphore, #tpu.memory_space<semaphore_mem>>) src(%dma_wait3A_20 : memref<100x256xf32, #tpu.memory_space<hbm>>) dst(%arg5 : memref<100x256xf32, #tpu.memory_space<vmem>>)
    %scan3A = arith.constant 0 : i32
    %scan3A_21 = arith.constant 0 : i32
    %scan3A_22 = arith.constant 100 : i32
    %scan3A_23 = arith.addi %scan3A_21, %scan3A_22 : i32
    %scan3A_24 = arith.constant 1 : i32
    scf.for %scan3A_141 = %scan3A_21 to %scan3A_23 step %scan3A_24  : i32 {
      %get3A = arith.index_cast %scan3A_141 : i32 to index
      %get3A_142 = arith.constant 0 : index
      %get3A_143 = tpu.vector_load %arg9[%get3A, %get3A_142] {strides = array<i32>} : memref<100x16xf32, #tpu.memory_space<vmem>>, vector<1x16xf32>,
      %get3A_144 = vector.shape_cast %get3A_143 : vector<1x16xf32> to vector<16xf32>
      %get3A_145 = arith.index_cast %scan3A_141 : i32 to index
      %get3A_146 = arith.constant 0 : index
      %get3A_147 = tpu.vector_load %arg5[%get3A_145, %get3A_146] {strides = array<i32>} : memref<100x256xf32, #tpu.memory_space<vmem>>, vector<1x16xf32>,
      %get3A_148 = vector.shape_cast %get3A_147 : vector<1x16xf32> to vector<16xf32>
      %ne3A = arith.cmpf one, %get3A_148, %get3A_148 : vector<16xf32>
      %select_n3A = arith.select %ne3A, %get3A_144, %get3A_148 : vector<16xi1>, vector<16xf32>
      %swap3A = arith.index_cast %scan3A_141 : i32 to index
      %swap3A_149 = arith.constant 0 : index
      %swap3A_150 = tpu.vector_load %arg7[%swap3A, %swap3A_149] {strides = array<i32>} : memref<100x256xf32, #tpu.memory_space<vmem>>, vector<1x16xf32>,
      %swap3A_151 = vector.shape_cast %swap3A_150 : vector<1x16xf32> to vector<16xf32>
      %swap3A_152 = vector.shape_cast %select_n3A : vector<16xf32> to vector<1x16xf32>
      tpu.vector_store %arg7[%swap3A, %swap3A_149], %swap3A_152 {strides = array<i32>} : memref<100x256xf32, #tpu.memory_space<vmem>>, vector<1x16xf32>,
      %get3A_153 = arith.index_cast %scan3A_141 : i32 to index
      %get3A_154 = arith.constant 16 : index
      %get3A_155 = tpu.vector_load %arg5[%get3A_153, %get3A_154] {strides = array<i32>} : memref<100x256xf32, #tpu.memory_space<vmem>>, vector<1x16xf32>,
      %get3A_156 = vector.shape_cast %get3A_155 : vector<1x16xf32> to vector<16xf32>
      %ne3A_157 = arith.cmpf one, %get3A_156, %get3A_156 : vector<16xf32>
      %select_n3A_158 = arith.select %ne3A_157, %get3A_144, %get3A_156 : vector<16xi1>, vector<16xf32>
      %swap3A_159 = arith.index_cast %scan3A_141 : i32 to index
      %swap3A_160 = arith.constant 16 : index
      %swap3A_161 = tpu.vector_load %arg7[%swap3A_159, %swap3A_160] {strides = array<i32>} : memref<100x256xf32, #tpu.memory_space<vmem>>, vector<1x16xf32>,
      %swap3A_162 = vector.shape_cast %swap3A_161 : vector<1x16xf32> to vector<16xf32>
      %swap3A_163 = vector.shape_cast %select_n3A_158 : vector<16xf32> to vector<1x16xf32>
      tpu.vector_store %arg7[%swap3A_159, %swap3A_160], %swap3A_163 {strides = array<i32>} : memref<100x256xf32, #tpu.memory_space<vmem>>, vector<1x16xf32>,
      %get3A_164 = arith.index_cast %scan3A_141 : i32 to index
      %get3A_165 = arith.constant 32 : index
      %get3A_166 = tpu.vector_load %arg5[%get3A_164, %get3A_165] {strides = array<i32>} : memref<100x256xf32, #tpu.memory_space<vmem>>, vector<1x16xf32>,
      %get3A_167 = vector.shape_cast %get3A_166 : vector<1x16xf32> to vector<16xf32>
      %ne3A_168 = arith.cmpf one, %get3A_167, %get3A_167 : vector<16xf32>
      %select_n3A_169 = arith.select %ne3A_168, %get3A_144, %get3A_167 : vector<16xi1>, vector<16xf32>
      %swap3A_170 = arith.index_cast %scan3A_141 : i32 to index
      %swap3A_171 = arith.constant 32 : index
      %swap3A_172 = tpu.vector_load %arg7[%swap3A_170, %swap3A_171] {strides = array<i32>} : memref<100x256xf32, #tpu.memory_space<vmem>>, vector<1x16xf32>,
      %swap3A_173 = vector.shape_cast %swap3A_172 : vector<1x16xf32> to vector<16xf32>
      %swap3A_174 = vector.shape_cast %select_n3A_169 : vector<16xf32> to vector<1x16xf32>
      tpu.vector_store %arg7[%swap3A_170, %swap3A_171], %swap3A_174 {strides = array<i32>} : memref<100x256xf32, #tpu.memory_space<vmem>>, vector<1x16xf32>,
      %get3A_175 = arith.index_cast %scan3A_141 : i32 to index
      %get3A_176 = arith.constant 48 : index
      %get3A_177 = tpu.vector_load %arg5[%get3A_175, %get3A_176] {strides = array<i32>} : memref<100x256xf32, #tpu.memory_space<vmem>>, vector<1x16xf32>,
      %get3A_178 = vector.shape_cast %get3A_177 : vector<1x16xf32> to vector<16xf32>
      %ne3A_179 = arith.cmpf one, %get3A_178, %get3A_178 : vector<16xf32>
      %select_n3A_180 = arith.select %ne3A_179, %get3A_144, %get3A_178 : vector<16xi1>, vector<16xf32>
      %swap3A_181 = arith.index_cast %scan3A_141 : i32 to index
      %swap3A_182 = arith.constant 48 : index
      %swap3A_183 = tpu.vector_load %arg7[%swap3A_181, %swap3A_182] {strides = array<i32>} : memref<100x256xf32, #tpu.memory_space<vmem>>, vector<1x16xf32>,
      %swap3A_184 = vector.shape_cast %swap3A_183 : vector<1x16xf32> to vector<16xf32>
      %swap3A_185 = vector.shape_cast %select_n3A_180 : vector<16xf32> to vector<1x16xf32>
      tpu.vector_store %arg7[%swap3A_181, %swap3A_182], %swap3A_185 {strides = array<i32>} : memref<100x256xf32, #tpu.memory_space<vmem>>, vector<1x16xf32>,
      %get3A_186 = arith.index_cast %scan3A_141 : i32 to index
      %get3A_187 = arith.constant 64 : index
      %get3A_188 = tpu.vector_load %arg5[%get3A_186, %get3A_187] {strides = array<i32>} : memref<100x256xf32, #tpu.memory_space<vmem>>, vector<1x16xf32>,
      %get3A_189 = vector.shape_cast %get3A_188 : vector<1x16xf32> to vector<16xf32>
      %ne3A_190 = arith.cmpf one, %get3A_189, %get3A_189 : vector<16xf32>
      %select_n3A_191 = arith.select %ne3A_190, %get3A_144, %get3A_189 : vector<16xi1>, vector<16xf32>
      %swap3A_192 = arith.index_cast %scan3A_141 : i32 to index
      %swap3A_193 = arith.constant 64 : index
      %swap3A_194 = tpu.vector_load %arg7[%swap3A_192, %swap3A_193] {strides = array<i32>} : memref<100x256xf32, #tpu.memory_space<vmem>>, vector<1x16xf32>,
      %swap3A_195 = vector.shape_cast %swap3A_194 : vector<1x16xf32> to vector<16xf32>
      %swap3A_196 = vector.shape_cast %select_n3A_191 : vector<16xf32> to vector<1x16xf32>
      tpu.vector_store %arg7[%swap3A_192, %swap3A_193], %swap3A_196 {strides = array<i32>} : memref<100x256xf32, #tpu.memory_space<vmem>>, vector<1x16xf32>,
      %get3A_197 = arith.index_cast %scan3A_141 : i32 to index
      %get3A_198 = arith.constant 80 : index
      %get3A_199 = tpu.vector_load %arg5[%get3A_197, %get3A_198] {strides = array<i32>} : memref<100x256xf32, #tpu.memory_space<vmem>>, vector<1x16xf32>,
      %get3A_200 = vector.shape_cast %get3A_199 : vector<1x16xf32> to vector<16xf32>
      %ne3A_201 = arith.cmpf one, %get3A_200, %get3A_200 : vector<16xf32>
      %select_n3A_202 = arith.select %ne3A_201, %get3A_144, %get3A_200 : vector<16xi1>, vector<16xf32>
      %swap3A_203 = arith.index_cast %scan3A_141 : i32 to index
      %swap3A_204 = arith.constant 80 : index
      %swap3A_205 = tpu.vector_load %arg7[%swap3A_203, %swap3A_204] {strides = array<i32>} : memref<100x256xf32, #tpu.memory_space<vmem>>, vector<1x16xf32>,
      %swap3A_206 = vector.shape_cast %swap3A_205 : vector<1x16xf32> to vector<16xf32>
      %swap3A_207 = vector.shape_cast %select_n3A_202 : vector<16xf32> to vector<1x16xf32>
      tpu.vector_store %arg7[%swap3A_203, %swap3A_204], %swap3A_207 {strides = array<i32>} : memref<100x256xf32, #tpu.memory_space<vmem>>, vector<1x16xf32>,
      %get3A_208 = arith.index_cast %scan3A_141 : i32 to index
      %get3A_209 = arith.constant 96 : index
      %get3A_210 = tpu.vector_load %arg5[%get3A_208, %get3A_209] {strides = array<i32>} : memref<100x256xf32, #tpu.memory_space<vmem>>, vector<1x16xf32>,
      %get3A_211 = vector.shape_cast %get3A_210 : vector<1x16xf32> to vector<16xf32>
      %ne3A_212 = arith.cmpf one, %get3A_211, %get3A_211 : vector<16xf32>
      %select_n3A_213 = arith.select %ne3A_212, %get3A_144, %get3A_211 : vector<16xi1>, vector<16xf32>
      %swap3A_214 = arith.index_cast %scan3A_141 : i32 to index
      %swap3A_215 = arith.constant 96 : index
      %swap3A_216 = tpu.vector_load %arg7[%swap3A_214, %swap3A_215] {strides = array<i32>} : memref<100x256xf32, #tpu.memory_space<vmem>>, vector<1x16xf32>,
      %swap3A_217 = vector.shape_cast %swap3A_216 : vector<1x16xf32> to vector<16xf32>
      %swap3A_218 = vector.shape_cast %select_n3A_213 : vector<16xf32> to vector<1x16xf32>
      tpu.vector_store %arg7[%swap3A_214, %swap3A_215], %swap3A_218 {strides = array<i32>} : memref<100x256xf32, #tpu.memory_space<vmem>>, vector<1x16xf32>,
      %get3A_219 = arith.index_cast %scan3A_141 : i32 to index
      %get3A_220 = arith.constant 112 : index
      %get3A_221 = tpu.vector_load %arg5[%get3A_219, %get3A_220] {strides = array<i32>} : memref<100x256xf32, #tpu.memory_space<vmem>>, vector<1x16xf32>,
      %get3A_222 = vector.shape_cast %get3A_221 : vector<1x16xf32> to vector<16xf32>
      %ne3A_223 = arith.cmpf one, %get3A_222, %get3A_222 : vector<16xf32>
      %select_n3A_224 = arith.select %ne3A_223, %get3A_144, %get3A_222 : vector<16xi1>, vector<16xf32>
      %swap3A_225 = arith.index_cast %scan3A_141 : i32 to index
      %swap3A_226 = arith.constant 112 : index
      %swap3A_227 = tpu.vector_load %arg7[%swap3A_225, %swap3A_226] {strides = array<i32>} : memref<100x256xf32, #tpu.memory_space<vmem>>, vector<1x16xf32>,
      %swap3A_228 = vector.shape_cast %swap3A_227 : vector<1x16xf32> to vector<16xf32>
      %swap3A_229 = vector.shape_cast %select_n3A_224 : vector<16xf32> to vector<1x16xf32>
      tpu.vector_store %arg7[%swap3A_225, %swap3A_226], %swap3A_229 {strides = array<i32>} : memref<100x256xf32, #tpu.memory_space<vmem>>, vector<1x16xf32>,
      %get3A_230 = arith.index_cast %scan3A_141 : i32 to index
      %get3A_231 = arith.constant 128 : index
      %get3A_232 = tpu.vector_load %arg5[%get3A_230, %get3A_231] {strides = array<i32>} : memref<100x256xf32, #tpu.memory_space<vmem>>, vector<1x16xf32>,
      %get3A_233 = vector.shape_cast %get3A_232 : vector<1x16xf32> to vector<16xf32>
      %ne3A_234 = arith.cmpf one, %get3A_233, %get3A_233 : vector<16xf32>
      %select_n3A_235 = arith.select %ne3A_234, %get3A_144, %get3A_233 : vector<16xi1>, vector<16xf32>
      %swap3A_236 = arith.index_cast %scan3A_141 : i32 to index
      %swap3A_237 = arith.constant 128 : index
      %swap3A_238 = tpu.vector_load %arg7[%swap3A_236, %swap3A_237] {strides = array<i32>} : memref<100x256xf32, #tpu.memory_space<vmem>>, vector<1x16xf32>,
      %swap3A_239 = vector.shape_cast %swap3A_238 : vector<1x16xf32> to vector<16xf32>
      %swap3A_240 = vector.shape_cast %select_n3A_235 : vector<16xf32> to vector<1x16xf32>
      tpu.vector_store %arg7[%swap3A_236, %swap3A_237], %swap3A_240 {strides = array<i32>} : memref<100x256xf32, #tpu.memory_space<vmem>>, vector<1x16xf32>,
      %get3A_241 = arith.index_cast %scan3A_141 : i32 to index
      %get3A_242 = arith.constant 144 : index
      %get3A_243 = tpu.vector_load %arg5[%get3A_241, %get3A_242] {strides = array<i32>} : memref<100x256xf32, #tpu.memory_space<vmem>>, vector<1x16xf32>,
      %get3A_244 = vector.shape_cast %get3A_243 : vector<1x16xf32> to vector<16xf32>
      %ne3A_245 = arith.cmpf one, %get3A_244, %get3A_244 : vector<16xf32>
      %select_n3A_246 = arith.select %ne3A_245, %get3A_144, %get3A_244 : vector<16xi1>, vector<16xf32>
      %swap3A_247 = arith.index_cast %scan3A_141 : i32 to index
      %swap3A_248 = arith.constant 144 : index
      %swap3A_249 = tpu.vector_load %arg7[%swap3A_247, %swap3A_248] {strides = array<i32>} : memref<100x256xf32, #tpu.memory_space<vmem>>, vector<1x16xf32>,
      %swap3A_250 = vector.shape_cast %swap3A_249 : vector<1x16xf32> to vector<16xf32>
      %swap3A_251 = vector.shape_cast %select_n3A_246 : vector<16xf32> to vector<1x16xf32>
      tpu.vector_store %arg7[%swap3A_247, %swap3A_248], %swap3A_251 {strides = array<i32>} : memref<100x256xf32, #tpu.memory_space<vmem>>, vector<1x16xf32>,
      %get3A_252 = arith.index_cast %scan3A_141 : i32 to index
      %get3A_253 = arith.constant 160 : index
      %get3A_254 = tpu.vector_load %arg5[%get3A_252, %get3A_253] {strides = array<i32>} : memref<100x256xf32, #tpu.memory_space<vmem>>, vector<1x16xf32>,
      %get3A_255 = vector.shape_cast %get3A_254 : vector<1x16xf32> to vector<16xf32>
      %ne3A_256 = arith.cmpf one, %get3A_255, %get3A_255 : vector<16xf32>
      %select_n3A_257 = arith.select %ne3A_256, %get3A_144, %get3A_255 : vector<16xi1>, vector<16xf32>
      %swap3A_258 = arith.index_cast %scan3A_141 : i32 to index
      %swap3A_259 = arith.constant 160 : index
      %swap3A_260 = tpu.vector_load %arg7[%swap3A_258, %swap3A_259] {strides = array<i32>} : memref<100x256xf32, #tpu.memory_space<vmem>>, vector<1x16xf32>,
      %swap3A_261 = vector.shape_cast %swap3A_260 : vector<1x16xf32> to vector<16xf32>
      %swap3A_262 = vector.shape_cast %select_n3A_257 : vector<16xf32> to vector<1x16xf32>
      tpu.vector_store %arg7[%swap3A_258, %swap3A_259], %swap3A_262 {strides = array<i32>} : memref<100x256xf32, #tpu.memory_space<vmem>>, vector<1x16xf32>,
      %get3A_263 = arith.index_cast %scan3A_141 : i32 to index
      %get3A_264 = arith.constant 176 : index
      %get3A_265 = tpu.vector_load %arg5[%get3A_263, %get3A_264] {strides = array<i32>} : memref<100x256xf32, #tpu.memory_space<vmem>>, vector<1x16xf32>,
      %get3A_266 = vector.shape_cast %get3A_265 : vector<1x16xf32> to vector<16xf32>
      %ne3A_267 = arith.cmpf one, %get3A_266, %get3A_266 : vector<16xf32>
      %select_n3A_268 = arith.select %ne3A_267, %get3A_144, %get3A_266 : vector<16xi1>, vector<16xf32>
      %swap3A_269 = arith.index_cast %scan3A_141 : i32 to index
      %swap3A_270 = arith.constant 176 : index
      %swap3A_271 = tpu.vector_load %arg7[%swap3A_269, %swap3A_270] {strides = array<i32>} : memref<100x256xf32, #tpu.memory_space<vmem>>, vector<1x16xf32>,
      %swap3A_272 = vector.shape_cast %swap3A_271 : vector<1x16xf32> to vector<16xf32>
      %swap3A_273 = vector.shape_cast %select_n3A_268 : vector<16xf32> to vector<1x16xf32>
      tpu.vector_store %arg7[%swap3A_269, %swap3A_270], %swap3A_273 {strides = array<i32>} : memref<100x256xf32, #tpu.memory_space<vmem>>, vector<1x16xf32>,
      %get3A_274 = arith.index_cast %scan3A_141 : i32 to index
      %get3A_275 = arith.constant 192 : index
      %get3A_276 = tpu.vector_load %arg5[%get3A_274, %get3A_275] {strides = array<i32>} : memref<100x256xf32, #tpu.memory_space<vmem>>, vector<1x16xf32>,
      %get3A_277 = vector.shape_cast %get3A_276 : vector<1x16xf32> to vector<16xf32>
      %ne3A_278 = arith.cmpf one, %get3A_277, %get3A_277 : vector<16xf32>
      %select_n3A_279 = arith.select %ne3A_278, %get3A_144, %get3A_277 : vector<16xi1>, vector<16xf32>
      %swap3A_280 = arith.index_cast %scan3A_141 : i32 to index
      %swap3A_281 = arith.constant 192 : index
      %swap3A_282 = tpu.vector_load %arg7[%swap3A_280, %swap3A_281] {strides = array<i32>} : memref<100x256xf32, #tpu.memory_space<vmem>>, vector<1x16xf32>,
      %swap3A_283 = vector.shape_cast %swap3A_282 : vector<1x16xf32> to vector<16xf32>
      %swap3A_284 = vector.shape_cast %select_n3A_279 : vector<16xf32> to vector<1x16xf32>
      tpu.vector_store %arg7[%swap3A_280, %swap3A_281], %swap3A_284 {strides = array<i32>} : memref<100x256xf32, #tpu.memory_space<vmem>>, vector<1x16xf32>,
      %get3A_285 = arith.index_cast %scan3A_141 : i32 to index
      %get3A_286 = arith.constant 208 : index
      %get3A_287 = tpu.vector_load %arg5[%get3A_285, %get3A_286] {strides = array<i32>} : memref<100x256xf32, #tpu.memory_space<vmem>>, vector<1x16xf32>,
      %get3A_288 = vector.shape_cast %get3A_287 : vector<1x16xf32> to vector<16xf32>
      %ne3A_289 = arith.cmpf one, %get3A_288, %get3A_288 : vector<16xf32>
      %select_n3A_290 = arith.select %ne3A_289, %get3A_144, %get3A_288 : vector<16xi1>, vector<16xf32>
      %swap3A_291 = arith.index_cast %scan3A_141 : i32 to index
      %swap3A_292 = arith.constant 208 : index
      %swap3A_293 = tpu.vector_load %arg7[%swap3A_291, %swap3A_292] {strides = array<i32>} : memref<100x256xf32, #tpu.memory_space<vmem>>, vector<1x16xf32>,
      %swap3A_294 = vector.shape_cast %swap3A_293 : vector<1x16xf32> to vector<16xf32>
      %swap3A_295 = vector.shape_cast %select_n3A_290 : vector<16xf32> to vector<1x16xf32>
      tpu.vector_store %arg7[%swap3A_291, %swap3A_292], %swap3A_295 {strides = array<i32>} : memref<100x256xf32, #tpu.memory_space<vmem>>, vector<1x16xf32>,
      %get3A_296 = arith.index_cast %scan3A_141 : i32 to index
      %get3A_297 = arith.constant 224 : index
      %get3A_298 = tpu.vector_load %arg5[%get3A_296, %get3A_297] {strides = array<i32>} : memref<100x256xf32, #tpu.memory_space<vmem>>, vector<1x16xf32>,
      %get3A_299 = vector.shape_cast %get3A_298 : vector<1x16xf32> to vector<16xf32>
      %ne3A_300 = arith.cmpf one, %get3A_299, %get3A_299 : vector<16xf32>
      %select_n3A_301 = arith.select %ne3A_300, %get3A_144, %get3A_299 : vector<16xi1>, vector<16xf32>
      %swap3A_302 = arith.index_cast %scan3A_141 : i32 to index
      %swap3A_303 = arith.constant 224 : index
      %swap3A_304 = tpu.vector_load %arg7[%swap3A_302, %swap3A_303] {strides = array<i32>} : memref<100x256xf32, #tpu.memory_space<vmem>>, vector<1x16xf32>,
      %swap3A_305 = vector.shape_cast %swap3A_304 : vector<1x16xf32> to vector<16xf32>
      %swap3A_306 = vector.shape_cast %select_n3A_301 : vector<16xf32> to vector<1x16xf32>
      tpu.vector_store %arg7[%swap3A_302, %swap3A_303], %swap3A_306 {strides = array<i32>} : memref<100x256xf32, #tpu.memory_space<vmem>>, vector<1x16xf32>,
      %get3A_307 = arith.index_cast %scan3A_141 : i32 to index
      %get3A_308 = arith.constant 240 : index
      %get3A_309 = tpu.vector_load %arg5[%get3A_307, %get3A_308] {strides = array<i32>} : memref<100x256xf32, #tpu.memory_space<vmem>>, vector<1x16xf32>,
      %get3A_310 = vector.shape_cast %get3A_309 : vector<1x16xf32> to vector<16xf32>
      %ne3A_311 = arith.cmpf one, %get3A_310, %get3A_310 : vector<16xf32>
      %select_n3A_312 = arith.select %ne3A_311, %get3A_144, %get3A_310 : vector<16xi1>, vector<16xf32>
      %swap3A_313 = arith.index_cast %scan3A_141 : i32 to index
      %swap3A_314 = arith.constant 240 : index
      %swap3A_315 = tpu.vector_load %arg7[%swap3A_313, %swap3A_314] {strides = array<i32>} : memref<100x256xf32, #tpu.memory_space<vmem>>, vector<1x16xf32>,
      %swap3A_316 = vector.shape_cast %swap3A_315 : vector<1x16xf32> to vector<16xf32>
      %swap3A_317 = vector.shape_cast %select_n3A_312 : vector<16xf32> to vector<1x16xf32>
      tpu.vector_store %arg7[%swap3A_313, %swap3A_314], %swap3A_317 {strides = array<i32>} : memref<100x256xf32, #tpu.memory_space<vmem>>, vector<1x16xf32>,
    }
    %scan3A_25 = arith.constant 100 : i32
    %add3A_26 = arith.constant 0 : i32
    %add3A_27 = arith.addi %mul3A_2, %add3A_26 : i32
    %multiple_of3A_28 = tpu.assume_multiple %add3A_27, 128 : i32
    %dma_start3A_29 = arith.constant 0 : i32
    %dma_start3A_30 = tpu.memref_slice %arg4[%dma_start3A_29, %multiple_of3A_28] : memref<100x262144xf32, #tpu.memory_space<hbm>> -> memref<100x256xf32, #tpu.memory_space<hbm>>
    %dma_start3A_31 = arith.constant 0 : i32
    %dma_start3A_32 = tpu.memref_slice %arg4[%dma_start3A_31, %multiple_of3A_28] : memref<100x262144xf32, #tpu.memory_space<hbm>> -> memref<100x256xf32, #tpu.memory_space<hbm>>
    tpu.enqueue_dma source(%arg7 : memref<100x256xf32, #tpu.memory_space<vmem>>) target(%dma_start3A_32 : memref<100x256xf32, #tpu.memory_space<hbm>>) target_semaphore(%arg12 : memref<!tpu.dma_semaphore, #tpu.memory_space<semaphore_mem>>)
    %add3A_33 = arith.constant 512 : i32
    %add3A_34 = arith.addi %mul3A_2, %add3A_33 : i32
    %multiple_of3A_35 = tpu.assume_multiple %add3A_34, 128 : i32
    %dma_start3A_36 = arith.constant 0 : i32
    %dma_start3A_37 = tpu.memref_slice %arg2[%dma_start3A_36, %multiple_of3A_35] : memref<100x262144xf32, #tpu.memory_space<hbm>> -> memref<100x256xf32, #tpu.memory_space<hbm>>
    %dma_start3A_38 = arith.constant 0 : i32
    %dma_start3A_39 = tpu.memref_slice %arg2[%dma_start3A_38, %multiple_of3A_35] : memref<100x262144xf32, #tpu.memory_space<hbm>> -> memref<100x256xf32, #tpu.memory_space<hbm>>
    tpu.enqueue_dma source(%dma_start3A_39 : memref<100x256xf32, #tpu.memory_space<hbm>>) target(%arg5 : memref<100x256xf32, #tpu.memory_space<vmem>>) target_semaphore(%arg10 : memref<!tpu.dma_semaphore, #tpu.memory_space<semaphore_mem>>)
    %add3A_40 = arith.constant 256 : i32
    %add3A_41 = arith.addi %mul3A_2, %add3A_40 : i32
    %multiple_of3A_42 = tpu.assume_multiple %add3A_41, 128 : i32
    %dma_wait3A_43 = arith.constant 0 : i32
    %dma_wait3A_44 = tpu.memref_slice %arg2[%dma_wait3A_43, %multiple_of3A_42] : memref<100x262144xf32, #tpu.memory_space<hbm>> -> memref<100x256xf32, #tpu.memory_space<hbm>>
    %dma_wait3A_45 = arith.constant 0 : i32
    %dma_wait3A_46 = tpu.memref_slice %arg2[%dma_wait3A_45, %multiple_of3A_42] : memref<100x262144xf32, #tpu.memory_space<hbm>> -> memref<100x256xf32, #tpu.memory_space<hbm>>
    tpu.wait_dma2 semaphore(%arg11 : memref<!tpu.dma_semaphore, #tpu.memory_space<semaphore_mem>>) src(%dma_wait3A_46 : memref<100x256xf32, #tpu.memory_space<hbm>>) dst(%arg6 : memref<100x256xf32, #tpu.memory_space<vmem>>)
    %scan3A_47 = arith.constant 0 : i32
    %scan3A_48 = arith.constant 0 : i32
    %scan3A_49 = arith.constant 100 : i32
    %scan3A_50 = arith.addi %scan3A_48, %scan3A_49 : i32
    %scan3A_51 = arith.constant 1 : i32
    scf.for %scan3A_141 = %scan3A_48 to %scan3A_50 step %scan3A_51  : i32 {
      %get3A = arith.index_cast %scan3A_141 : i32 to index
      %get3A_142 = arith.constant 0 : index
      %get3A_143 = tpu.vector_load %arg9[%get3A, %get3A_142] {strides = array<i32>} : memref<100x16xf32, #tpu.memory_space<vmem>>, vector<1x16xf32>,
      %get3A_144 = vector.shape_cast %get3A_143 : vector<1x16xf32> to vector<16xf32>
      %get3A_145 = arith.index_cast %scan3A_141 : i32 to index
      %get3A_146 = arith.constant 0 : index
      %get3A_147 = tpu.vector_load %arg6[%get3A_145, %get3A_146] {strides = array<i32>} : memref<100x256xf32, #tpu.memory_space<vmem>>, vector<1x16xf32>,
      %get3A_148 = vector.shape_cast %get3A_147 : vector<1x16xf32> to vector<16xf32>
      %ne3A = arith.cmpf one, %get3A_148, %get3A_148 : vector<16xf32>
      %select_n3A = arith.select %ne3A, %get3A_144, %get3A_148 : vector<16xi1>, vector<16xf32>
      %swap3A = arith.index_cast %scan3A_141 : i32 to index
      %swap3A_149 = arith.constant 0 : index
      %swap3A_150 = tpu.vector_load %arg8[%swap3A, %swap3A_149] {strides = array<i32>} : memref<100x256xf32, #tpu.memory_space<vmem>>, vector<1x16xf32>,
      %swap3A_151 = vector.shape_cast %swap3A_150 : vector<1x16xf32> to vector<16xf32>
      %swap3A_152 = vector.shape_cast %select_n3A : vector<16xf32> to vector<1x16xf32>
      tpu.vector_store %arg8[%swap3A, %swap3A_149], %swap3A_152 {strides = array<i32>} : memref<100x256xf32, #tpu.memory_space<vmem>>, vector<1x16xf32>,
      %get3A_153 = arith.index_cast %scan3A_141 : i32 to index
      %get3A_154 = arith.constant 16 : index
      %get3A_155 = tpu.vector_load %arg6[%get3A_153, %get3A_154] {strides = array<i32>} : memref<100x256xf32, #tpu.memory_space<vmem>>, vector<1x16xf32>,
      %get3A_156 = vector.shape_cast %get3A_155 : vector<1x16xf32> to vector<16xf32>
      %ne3A_157 = arith.cmpf one, %get3A_156, %get3A_156 : vector<16xf32>
      %select_n3A_158 = arith.select %ne3A_157, %get3A_144, %get3A_156 : vector<16xi1>, vector<16xf32>
      %swap3A_159 = arith.index_cast %scan3A_141 : i32 to index
      %swap3A_160 = arith.constant 16 : index
      %swap3A_161 = tpu.vector_load %arg8[%swap3A_159, %swap3A_160] {strides = array<i32>} : memref<100x256xf32, #tpu.memory_space<vmem>>, vector<1x16xf32>,
      %swap3A_162 = vector.shape_cast %swap3A_161 : vector<1x16xf32> to vector<16xf32>
      %swap3A_163 = vector.shape_cast %select_n3A_158 : vector<16xf32> to vector<1x16xf32>
      tpu.vector_store %arg8[%swap3A_159, %swap3A_160], %swap3A_163 {strides = array<i32>} : memref<100x256xf32, #tpu.memory_space<vmem>>, vector<1x16xf32>,
      %get3A_164 = arith.index_cast %scan3A_141 : i32 to index
      %get3A_165 = arith.constant 32 : index
      %get3A_166 = tpu.vector_load %arg6[%get3A_164, %get3A_165] {strides = array<i32>} : memref<100x256xf32, #tpu.memory_space<vmem>>, vector<1x16xf32>,
      %get3A_167 = vector.shape_cast %get3A_166 : vector<1x16xf32> to vector<16xf32>
      %ne3A_168 = arith.cmpf one, %get3A_167, %get3A_167 : vector<16xf32>
      %select_n3A_169 = arith.select %ne3A_168, %get3A_144, %get3A_167 : vector<16xi1>, vector<16xf32>
      %swap3A_170 = arith.index_cast %scan3A_141 : i32 to index
      %swap3A_171 = arith.constant 32 : index
      %swap3A_172 = tpu.vector_load %arg8[%swap3A_170, %swap3A_171] {strides = array<i32>} : memref<100x256xf32, #tpu.memory_space<vmem>>, vector<1x16xf32>,
      %swap3A_173 = vector.shape_cast %swap3A_172 : vector<1x16xf32> to vector<16xf32>
      %swap3A_174 = vector.shape_cast %select_n3A_169 : vector<16xf32> to vector<1x16xf32>
      tpu.vector_store %arg8[%swap3A_170, %swap3A_171], %swap3A_174 {strides = array<i32>} : memref<100x256xf32, #tpu.memory_space<vmem>>, vector<1x16xf32>,
      %get3A_175 = arith.index_cast %scan3A_141 : i32 to index
      %get3A_176 = arith.constant 48 : index
      %get3A_177 = tpu.vector_load %arg6[%get3A_175, %get3A_176] {strides = array<i32>} : memref<100x256xf32, #tpu.memory_space<vmem>>, vector<1x16xf32>,
      %get3A_178 = vector.shape_cast %get3A_177 : vector<1x16xf32> to vector<16xf32>
      %ne3A_179 = arith.cmpf one, %get3A_178, %get3A_178 : vector<16xf32>
      %select_n3A_180 = arith.select %ne3A_179, %get3A_144, %get3A_178 : vector<16xi1>, vector<16xf32>
      %swap3A_181 = arith.index_cast %scan3A_141 : i32 to index
      %swap3A_182 = arith.constant 48 : index
      %swap3A_183 = tpu.vector_load %arg8[%swap3A_181, %swap3A_182] {strides = array<i32>} : memref<100x256xf32, #tpu.memory_space<vmem>>, vector<1x16xf32>,
      %swap3A_184 = vector.shape_cast %swap3A_183 : vector<1x16xf32> to vector<16xf32>
      %swap3A_185 = vector.shape_cast %select_n3A_180 : vector<16xf32> to vector<1x16xf32>
      tpu.vector_store %arg8[%swap3A_181, %swap3A_182], %swap3A_185 {strides = array<i32>} : memref<100x256xf32, #tpu.memory_space<vmem>>, vector<1x16xf32>,
      %get3A_186 = arith.index_cast %scan3A_141 : i32 to index
      %get3A_187 = arith.constant 64 : index
      %get3A_188 = tpu.vector_load %arg6[%get3A_186, %get3A_187] {strides = array<i32>} : memref<100x256xf32, #tpu.memory_space<vmem>>, vector<1x16xf32>,
      %get3A_189 = vector.shape_cast %get3A_188 : vector<1x16xf32> to vector<16xf32>
      %ne3A_190 = arith.cmpf one, %get3A_189, %get3A_189 : vector<16xf32>
      %select_n3A_191 = arith.select %ne3A_190, %get3A_144, %get3A_189 : vector<16xi1>, vector<16xf32>
      %swap3A_192 = arith.index_cast %scan3A_141 : i32 to index
      %swap3A_193 = arith.constant 64 : index
      %swap3A_194 = tpu.vector_load %arg8[%swap3A_192, %swap3A_193] {strides = array<i32>} : memref<100x256xf32, #tpu.memory_space<vmem>>, vector<1x16xf32>,
      %swap3A_195 = vector.shape_cast %swap3A_194 : vector<1x16xf32> to vector<16xf32>
      %swap3A_196 = vector.shape_cast %select_n3A_191 : vector<16xf32> to vector<1x16xf32>
      tpu.vector_store %arg8[%swap3A_192, %swap3A_193], %swap3A_196 {strides = array<i32>} : memref<100x256xf32, #tpu.memory_space<vmem>>, vector<1x16xf32>,
      %get3A_197 = arith.index_cast %scan3A_141 : i32 to index
      %get3A_198 = arith.constant 80 : index
      %get3A_199 = tpu.vector_load %arg6[%get3A_197, %get3A_198] {strides = array<i32>} : memref<100x256xf32, #tpu.memory_space<vmem>>, vector<1x16xf32>,
      %get3A_200 = vector.shape_cast %get3A_199 : vector<1x16xf32> to vector<16xf32>
      %ne3A_201 = arith.cmpf one, %get3A_200, %get3A_200 : vector<16xf32>
      %select_n3A_202 = arith.select %ne3A_201, %get3A_144, %get3A_200 : vector<16xi1>, vector<16xf32>
      %swap3A_203 = arith.index_cast %scan3A_141 : i32 to index
      %swap3A_204 = arith.constant 80 : index
      %swap3A_205 = tpu.vector_load %arg8[%swap3A_203, %swap3A_204] {strides = array<i32>} : memref<100x256xf32, #tpu.memory_space<vmem>>, vector<1x16xf32>,
      %swap3A_206 = vector.shape_cast %swap3A_205 : vector<1x16xf32> to vector<16xf32>
      %swap3A_207 = vector.shape_cast %select_n3A_202 : vector<16xf32> to vector<1x16xf32>
      tpu.vector_store %arg8[%swap3A_203, %swap3A_204], %swap3A_207 {strides = array<i32>} : memref<100x256xf32, #tpu.memory_space<vmem>>, vector<1x16xf32>,
      %get3A_208 = arith.index_cast %scan3A_141 : i32 to index
      %get3A_209 = arith.constant 96 : index
      %get3A_210 = tpu.vector_load %arg6[%get3A_208, %get3A_209] {strides = array<i32>} : memref<100x256xf32, #tpu.memory_space<vmem>>, vector<1x16xf32>,
      %get3A_211 = vector.shape_cast %get3A_210 : vector<1x16xf32> to vector<16xf32>
      %ne3A_212 = arith.cmpf one, %get3A_211, %get3A_211 : vector<16xf32>
      %select_n3A_213 = arith.select %ne3A_212, %get3A_144, %get3A_211 : vector<16xi1>, vector<16xf32>
      %swap3A_214 = arith.index_cast %scan3A_141 : i32 to index
      %swap3A_215 = arith.constant 96 : index
      %swap3A_216 = tpu.vector_load %arg8[%swap3A_214, %swap3A_215] {strides = array<i32>} : memref<100x256xf32, #tpu.memory_space<vmem>>, vector<1x16xf32>,
      %swap3A_217 = vector.shape_cast %swap3A_216 : vector<1x16xf32> to vector<16xf32>
      %swap3A_218 = vector.shape_cast %select_n3A_213 : vector<16xf32> to vector<1x16xf32>
      tpu.vector_store %arg8[%swap3A_214, %swap3A_215], %swap3A_218 {strides = array<i32>} : memref<100x256xf32, #tpu.memory_space<vmem>>, vector<1x16xf32>,
      %get3A_219 = arith.index_cast %scan3A_141 : i32 to index
      %get3A_220 = arith.constant 112 : index
      %get3A_221 = tpu.vector_load %arg6[%get3A_219, %get3A_220] {strides = array<i32>} : memref<100x256xf32, #tpu.memory_space<vmem>>, vector<1x16xf32>,
      %get3A_222 = vector.shape_cast %get3A_221 : vector<1x16xf32> to vector<16xf32>
      %ne3A_223 = arith.cmpf one, %get3A_222, %get3A_222 : vector<16xf32>
      %select_n3A_224 = arith.select %ne3A_223, %get3A_144, %get3A_222 : vector<16xi1>, vector<16xf32>
      %swap3A_225 = arith.index_cast %scan3A_141 : i32 to index
      %swap3A_226 = arith.constant 112 : index
      %swap3A_227 = tpu.vector_load %arg8[%swap3A_225, %swap3A_226] {strides = array<i32>} : memref<100x256xf32, #tpu.memory_space<vmem>>, vector<1x16xf32>,
      %swap3A_228 = vector.shape_cast %swap3A_227 : vector<1x16xf32> to vector<16xf32>
      %swap3A_229 = vector.shape_cast %select_n3A_224 : vector<16xf32> to vector<1x16xf32>
      tpu.vector_store %arg8[%swap3A_225, %swap3A_226], %swap3A_229 {strides = array<i32>} : memref<100x256xf32, #tpu.memory_space<vmem>>, vector<1x16xf32>,
      %get3A_230 = arith.index_cast %scan3A_141 : i32 to index
      %get3A_231 = arith.constant 128 : index
      %get3A_232 = tpu.vector_load %arg6[%get3A_230, %get3A_231] {strides = array<i32>} : memref<100x256xf32, #tpu.memory_space<vmem>>, vector<1x16xf32>,
      %get3A_233 = vector.shape_cast %get3A_232 : vector<1x16xf32> to vector<16xf32>
      %ne3A_234 = arith.cmpf one, %get3A_233, %get3A_233 : vector<16xf32>
      %select_n3A_235 = arith.select %ne3A_234, %get3A_144, %get3A_233 : vector<16xi1>, vector<16xf32>
      %swap3A_236 = arith.index_cast %scan3A_141 : i32 to index
      %swap3A_237 = arith.constant 128 : index
      %swap3A_238 = tpu.vector_load %arg8[%swap3A_236, %swap3A_237] {strides = array<i32>} : memref<100x256xf32, #tpu.memory_space<vmem>>, vector<1x16xf32>,
      %swap3A_239 = vector.shape_cast %swap3A_238 : vector<1x16xf32> to vector<16xf32>
      %swap3A_240 = vector.shape_cast %select_n3A_235 : vector<16xf32> to vector<1x16xf32>
      tpu.vector_store %arg8[%swap3A_236, %swap3A_237], %swap3A_240 {strides = array<i32>} : memref<100x256xf32, #tpu.memory_space<vmem>>, vector<1x16xf32>,
      %get3A_241 = arith.index_cast %scan3A_141 : i32 to index
      %get3A_242 = arith.constant 144 : index
      %get3A_243 = tpu.vector_load %arg6[%get3A_241, %get3A_242] {strides = array<i32>} : memref<100x256xf32, #tpu.memory_space<vmem>>, vector<1x16xf32>,
      %get3A_244 = vector.shape_cast %get3A_243 : vector<1x16xf32> to vector<16xf32>
      %ne3A_245 = arith.cmpf one, %get3A_244, %get3A_244 : vector<16xf32>
      %select_n3A_246 = arith.select %ne3A_245, %get3A_144, %get3A_244 : vector<16xi1>, vector<16xf32>
      %swap3A_247 = arith.index_cast %scan3A_141 : i32 to index
      %swap3A_248 = arith.constant 144 : index
      %swap3A_249 = tpu.vector_load %arg8[%swap3A_247, %swap3A_248] {strides = array<i32>} : memref<100x256xf32, #tpu.memory_space<vmem>>, vector<1x16xf32>,
      %swap3A_250 = vector.shape_cast %swap3A_249 : vector<1x16xf32> to vector<16xf32>
      %swap3A_251 = vector.shape_cast %select_n3A_246 : vector<16xf32> to vector<1x16xf32>
      tpu.vector_store %arg8[%swap3A_247, %swap3A_248], %swap3A_251 {strides = array<i32>} : memref<100x256xf32, #tpu.memory_space<vmem>>, vector<1x16xf32>,
      %get3A_252 = arith.index_cast %scan3A_141 : i32 to index
      %get3A_253 = arith.constant 160 : index
      %get3A_254 = tpu.vector_load %arg6[%get3A_252, %get3A_253] {strides = array<i32>} : memref<100x256xf32, #tpu.memory_space<vmem>>, vector<1x16xf32>,
      %get3A_255 = vector.shape_cast %get3A_254 : vector<1x16xf32> to vector<16xf32>
      %ne3A_256 = arith.cmpf one, %get3A_255, %get3A_255 : vector<16xf32>
      %select_n3A_257 = arith.select %ne3A_256, %get3A_144, %get3A_255 : vector<16xi1>, vector<16xf32>
      %swap3A_258 = arith.index_cast %scan3A_141 : i32 to index
      %swap3A_259 = arith.constant 160 : index
      %swap3A_260 = tpu.vector_load %arg8[%swap3A_258, %swap3A_259] {strides = array<i32>} : memref<100x256xf32, #tpu.memory_space<vmem>>, vector<1x16xf32>,
      %swap3A_261 = vector.shape_cast %swap3A_260 : vector<1x16xf32> to vector<16xf32>
      %swap3A_262 = vector.shape_cast %select_n3A_257 : vector<16xf32> to vector<1x16xf32>
      tpu.vector_store %arg8[%swap3A_258, %swap3A_259], %swap3A_262 {strides = array<i32>} : memref<100x256xf32, #tpu.memory_space<vmem>>, vector<1x16xf32>,
      %get3A_263 = arith.index_cast %scan3A_141 : i32 to index
      %get3A_264 = arith.constant 176 : index
      %get3A_265 = tpu.vector_load %arg6[%get3A_263, %get3A_264] {strides = array<i32>} : memref<100x256xf32, #tpu.memory_space<vmem>>, vector<1x16xf32>,
      %get3A_266 = vector.shape_cast %get3A_265 : vector<1x16xf32> to vector<16xf32>
      %ne3A_267 = arith.cmpf one, %get3A_266, %get3A_266 : vector<16xf32>
      %select_n3A_268 = arith.select %ne3A_267, %get3A_144, %get3A_266 : vector<16xi1>, vector<16xf32>
      %swap3A_269 = arith.index_cast %scan3A_141 : i32 to index
      %swap3A_270 = arith.constant 176 : index
      %swap3A_271 = tpu.vector_load %arg8[%swap3A_269, %swap3A_270] {strides = array<i32>} : memref<100x256xf32, #tpu.memory_space<vmem>>, vector<1x16xf32>,
      %swap3A_272 = vector.shape_cast %swap3A_271 : vector<1x16xf32> to vector<16xf32>
      %swap3A_273 = vector.shape_cast %select_n3A_268 : vector<16xf32> to vector<1x16xf32>
      tpu.vector_store %arg8[%swap3A_269, %swap3A_270], %swap3A_273 {strides = array<i32>} : memref<100x256xf32, #tpu.memory_space<vmem>>, vector<1x16xf32>,
      %get3A_274 = arith.index_cast %scan3A_141 : i32 to index
      %get3A_275 = arith.constant 192 : index
      %get3A_276 = tpu.vector_load %arg6[%get3A_274, %get3A_275] {strides = array<i32>} : memref<100x256xf32, #tpu.memory_space<vmem>>, vector<1x16xf32>,
      %get3A_277 = vector.shape_cast %get3A_276 : vector<1x16xf32> to vector<16xf32>
      %ne3A_278 = arith.cmpf one, %get3A_277, %get3A_277 : vector<16xf32>
      %select_n3A_279 = arith.select %ne3A_278, %get3A_144, %get3A_277 : vector<16xi1>, vector<16xf32>
      %swap3A_280 = arith.index_cast %scan3A_141 : i32 to index
      %swap3A_281 = arith.constant 192 : index
      %swap3A_282 = tpu.vector_load %arg8[%swap3A_280, %swap3A_281] {strides = array<i32>} : memref<100x256xf32, #tpu.memory_space<vmem>>, vector<1x16xf32>,
      %swap3A_283 = vector.shape_cast %swap3A_282 : vector<1x16xf32> to vector<16xf32>
      %swap3A_284 = vector.shape_cast %select_n3A_279 : vector<16xf32> to vector<1x16xf32>
      tpu.vector_store %arg8[%swap3A_280, %swap3A_281], %swap3A_284 {strides = array<i32>} : memref<100x256xf32, #tpu.memory_space<vmem>>, vector<1x16xf32>,
      %get3A_285 = arith.index_cast %scan3A_141 : i32 to index
      %get3A_286 = arith.constant 208 : index
      %get3A_287 = tpu.vector_load %arg6[%get3A_285, %get3A_286] {strides = array<i32>} : memref<100x256xf32, #tpu.memory_space<vmem>>, vector<1x16xf32>,
      %get3A_288 = vector.shape_cast %get3A_287 : vector<1x16xf32> to vector<16xf32>
      %ne3A_289 = arith.cmpf one, %get3A_288, %get3A_288 : vector<16xf32>
      %select_n3A_290 = arith.select %ne3A_289, %get3A_144, %get3A_288 : vector<16xi1>, vector<16xf32>
      %swap3A_291 = arith.index_cast %scan3A_141 : i32 to index
      %swap3A_292 = arith.constant 208 : index
      %swap3A_293 = tpu.vector_load %arg8[%swap3A_291, %swap3A_292] {strides = array<i32>} : memref<100x256xf32, #tpu.memory_space<vmem>>, vector<1x16xf32>,
      %swap3A_294 = vector.shape_cast %swap3A_293 : vector<1x16xf32> to vector<16xf32>
      %swap3A_295 = vector.shape_cast %select_n3A_290 : vector<16xf32> to vector<1x16xf32>
      tpu.vector_store %arg8[%swap3A_291, %swap3A_292], %swap3A_295 {strides = array<i32>} : memref<100x256xf32, #tpu.memory_space<vmem>>, vector<1x16xf32>,
      %get3A_296 = arith.index_cast %scan3A_141 : i32 to index
      %get3A_297 = arith.constant 224 : index
      %get3A_298 = tpu.vector_load %arg6[%get3A_296, %get3A_297] {strides = array<i32>} : memref<100x256xf32, #tpu.memory_space<vmem>>, vector<1x16xf32>,
      %get3A_299 = vector.shape_cast %get3A_298 : vector<1x16xf32> to vector<16xf32>
      %ne3A_300 = arith.cmpf one, %get3A_299, %get3A_299 : vector<16xf32>
      %select_n3A_301 = arith.select %ne3A_300, %get3A_144, %get3A_299 : vector<16xi1>, vector<16xf32>
      %swap3A_302 = arith.index_cast %scan3A_141 : i32 to index
      %swap3A_303 = arith.constant 224 : index
      %swap3A_304 = tpu.vector_load %arg8[%swap3A_302, %swap3A_303] {strides = array<i32>} : memref<100x256xf32, #tpu.memory_space<vmem>>, vector<1x16xf32>,
      %swap3A_305 = vector.shape_cast %swap3A_304 : vector<1x16xf32> to vector<16xf32>
      %swap3A_306 = vector.shape_cast %select_n3A_301 : vector<16xf32> to vector<1x16xf32>
      tpu.vector_store %arg8[%swap3A_302, %swap3A_303], %swap3A_306 {strides = array<i32>} : memref<100x256xf32, #tpu.memory_space<vmem>>, vector<1x16xf32>,
      %get3A_307 = arith.index_cast %scan3A_141 : i32 to index
      %get3A_308 = arith.constant 240 : index
      %get3A_309 = tpu.vector_load %arg6[%get3A_307, %get3A_308] {strides = array<i32>} : memref<100x256xf32, #tpu.memory_space<vmem>>, vector<1x16xf32>,
      %get3A_310 = vector.shape_cast %get3A_309 : vector<1x16xf32> to vector<16xf32>
      %ne3A_311 = arith.cmpf one, %get3A_310, %get3A_310 : vector<16xf32>
      %select_n3A_312 = arith.select %ne3A_311, %get3A_144, %get3A_310 : vector<16xi1>, vector<16xf32>
      %swap3A_313 = arith.index_cast %scan3A_141 : i32 to index
      %swap3A_314 = arith.constant 240 : index
      %swap3A_315 = tpu.vector_load %arg8[%swap3A_313, %swap3A_314] {strides = array<i32>} : memref<100x256xf32, #tpu.memory_space<vmem>>, vector<1x16xf32>,
      %swap3A_316 = vector.shape_cast %swap3A_315 : vector<1x16xf32> to vector<16xf32>
      %swap3A_317 = vector.shape_cast %select_n3A_312 : vector<16xf32> to vector<1x16xf32>
      tpu.vector_store %arg8[%swap3A_313, %swap3A_314], %swap3A_317 {strides = array<i32>} : memref<100x256xf32, #tpu.memory_space<vmem>>, vector<1x16xf32>,
    }
    %scan3A_52 = arith.constant 100 : i32
    %add3A_53 = arith.constant 256 : i32
    %add3A_54 = arith.addi %mul3A_2, %add3A_53 : i32
    %multiple_of3A_55 = tpu.assume_multiple %add3A_54, 128 : i32
    %dma_start3A_56 = arith.constant 0 : i32
    %dma_start3A_57 = tpu.memref_slice %arg4[%dma_start3A_56, %multiple_of3A_55] : memref<100x262144xf32, #tpu.memory_space<hbm>> -> memref<100x256xf32, #tpu.memory_space<hbm>>
    %dma_start3A_58 = arith.constant 0 : i32
    %dma_start3A_59 = tpu.memref_slice %arg4[%dma_start3A_58, %multiple_of3A_55] : memref<100x262144xf32, #tpu.memory_space<hbm>> -> memref<100x256xf32, #tpu.memory_space<hbm>>
    tpu.enqueue_dma source(%arg8 : memref<100x256xf32, #tpu.memory_space<vmem>>) target(%dma_start3A_59 : memref<100x256xf32, #tpu.memory_space<hbm>>) target_semaphore(%arg13 : memref<!tpu.dma_semaphore, #tpu.memory_space<semaphore_mem>>)
    %add3A_60 = arith.constant 768 : i32
    %add3A_61 = arith.addi %mul3A_2, %add3A_60 : i32
    %multiple_of3A_62 = tpu.assume_multiple %add3A_61, 128 : i32
    %dma_start3A_63 = arith.constant 0 : i32
    %dma_start3A_64 = tpu.memref_slice %arg2[%dma_start3A_63, %multiple_of3A_62] : memref<100x262144xf32, #tpu.memory_space<hbm>> -> memref<100x256xf32, #tpu.memory_space<hbm>>
    %dma_start3A_65 = arith.constant 0 : i32
    %dma_start3A_66 = tpu.memref_slice %arg2[%dma_start3A_65, %multiple_of3A_62] : memref<100x262144xf32, #tpu.memory_space<hbm>> -> memref<100x256xf32, #tpu.memory_space<hbm>>
    tpu.enqueue_dma source(%dma_start3A_66 : memref<100x256xf32, #tpu.memory_space<hbm>>) target(%arg6 : memref<100x256xf32, #tpu.memory_space<vmem>>) target_semaphore(%arg11 : memref<!tpu.dma_semaphore, #tpu.memory_space<semaphore_mem>>)
    %scan3A_67 = arith.constant 0 : i32
    %scan3A_68 = arith.constant 1 : i32
    %scan3A_69 = arith.constant 14 : i32
    %scan3A_70 = arith.addi %scan3A_68, %scan3A_69 : i32
    %scan3A_71 = arith.constant 1 : i32
    scf.for %scan3A_141 = %scan3A_68 to %scan3A_70 step %scan3A_71  : i32 {
      %mul3A_142 = arith.constant 2 : i32
      %mul3A_143 = arith.muli %scan3A_141, %mul3A_142 : i32
      %add3A_144 = arith.constant 0 : i32
      %add3A_145 = arith.addi %mul3A_143, %add3A_144 : i32
      %mul3A_146 = arith.constant 256 : i32
      %mul3A_147 = arith.muli %add3A_145, %mul3A_146 : i32
      %add3A_148 = arith.addi %mul3A_2, %mul3A_147 : i32
      %multiple_of3A_149 = tpu.assume_multiple %add3A_148, 128 : i32
      %dma_wait3A_150 = arith.constant 0 : i32
      %dma_wait3A_151 = tpu.memref_slice %arg2[%dma_wait3A_150, %multiple_of3A_149] : memref<100x262144xf32, #tpu.memory_space<hbm>> -> memref<100x256xf32, #tpu.memory_space<hbm>>
      %dma_wait3A_152 = arith.constant 0 : i32
      %dma_wait3A_153 = tpu.memref_slice %arg2[%dma_wait3A_152, %multiple_of3A_149] : memref<100x262144xf32, #tpu.memory_space<hbm>> -> memref<100x256xf32, #tpu.memory_space<hbm>>
      tpu.wait_dma2 semaphore(%arg10 : memref<!tpu.dma_semaphore, #tpu.memory_space<semaphore_mem>>) src(%dma_wait3A_153 : memref<100x256xf32, #tpu.memory_space<hbm>>) dst(%arg5 : memref<100x256xf32, #tpu.memory_space<vmem>>)
      %sub3A = arith.constant 2 : i32
      %sub3A_154 = arith.subi %add3A_145, %sub3A : i32
      %mul3A_155 = arith.constant 256 : i32
      %mul3A_156 = arith.muli %sub3A_154, %mul3A_155 : i32
      %add3A_157 = arith.addi %mul3A_2, %mul3A_156 : i32
      %multiple_of3A_158 = tpu.assume_multiple %add3A_157, 128 : i32
      %dma_wait3A_159 = arith.constant 0 : i32
      %dma_wait3A_160 = tpu.memref_slice %arg4[%dma_wait3A_159, %multiple_of3A_158] : memref<100x262144xf32, #tpu.memory_space<hbm>> -> memref<100x256xf32, #tpu.memory_space<hbm>>
      %dma_wait3A_161 = arith.constant 0 : i32
      %dma_wait3A_162 = tpu.memref_slice %arg4[%dma_wait3A_161, %multiple_of3A_158] : memref<100x262144xf32, #tpu.memory_space<hbm>> -> memref<100x256xf32, #tpu.memory_space<hbm>>
      tpu.wait_dma2 semaphore(%arg12 : memref<!tpu.dma_semaphore, #tpu.memory_space<semaphore_mem>>) src(%arg7 : memref<100x256xf32, #tpu.memory_space<vmem>>) dst(%dma_wait3A_162 : memref<100x256xf32, #tpu.memory_space<hbm>>)
      %scan3A_163 = arith.constant 0 : i32
      %scan3A_164 = arith.constant 0 : i32
      %scan3A_165 = arith.constant 100 : i32
      %scan3A_166 = arith.addi %scan3A_164, %scan3A_165 : i32
      %scan3A_167 = arith.constant 1 : i32
      scf.for %scan3A_233 = %scan3A_164 to %scan3A_166 step %scan3A_167  : i32 {
        %get3A = arith.index_cast %scan3A_233 : i32 to index
        %get3A_234 = arith.constant 0 : index
        %get3A_235 = tpu.vector_load %arg9[%get3A, %get3A_234] {strides = array<i32>} : memref<100x16xf32, #tpu.memory_space<vmem>>, vector<1x16xf32>,
        %get3A_236 = vector.shape_cast %get3A_235 : vector<1x16xf32> to vector<16xf32>
        %get3A_237 = arith.index_cast %scan3A_233 : i32 to index
        %get3A_238 = arith.constant 0 : index
        %get3A_239 = tpu.vector_load %arg5[%get3A_237, %get3A_238] {strides = array<i32>} : memref<100x256xf32, #tpu.memory_space<vmem>>, vector<1x16xf32>,
        %get3A_240 = vector.shape_cast %get3A_239 : vector<1x16xf32> to vector<16xf32>
        %ne3A = arith.cmpf one, %get3A_240, %get3A_240 : vector<16xf32>
        %select_n3A = arith.select %ne3A, %get3A_236, %get3A_240 : vector<16xi1>, vector<16xf32>
        %swap3A = arith.index_cast %scan3A_233 : i32 to index
        %swap3A_241 = arith.constant 0 : index
        %swap3A_242 = tpu.vector_load %arg7[%swap3A, %swap3A_241] {strides = array<i32>} : memref<100x256xf32, #tpu.memory_space<vmem>>, vector<1x16xf32>,
        %swap3A_243 = vector.shape_cast %swap3A_242 : vector<1x16xf32> to vector<16xf32>
        %swap3A_244 = vector.shape_cast %select_n3A : vector<16xf32> to vector<1x16xf32>
        tpu.vector_store %arg7[%swap3A, %swap3A_241], %swap3A_244 {strides = array<i32>} : memref<100x256xf32, #tpu.memory_space<vmem>>, vector<1x16xf32>,
        %get3A_245 = arith.index_cast %scan3A_233 : i32 to index
        %get3A_246 = arith.constant 16 : index
        %get3A_247 = tpu.vector_load %arg5[%get3A_245, %get3A_246] {strides = array<i32>} : memref<100x256xf32, #tpu.memory_space<vmem>>, vector<1x16xf32>,
        %get3A_248 = vector.shape_cast %get3A_247 : vector<1x16xf32> to vector<16xf32>
        %ne3A_249 = arith.cmpf one, %get3A_248, %get3A_248 : vector<16xf32>
        %select_n3A_250 = arith.select %ne3A_249, %get3A_236, %get3A_248 : vector<16xi1>, vector<16xf32>
        %swap3A_251 = arith.index_cast %scan3A_233 : i32 to index
        %swap3A_252 = arith.constant 16 : index
        %swap3A_253 = tpu.vector_load %arg7[%swap3A_251, %swap3A_252] {strides = array<i32>} : memref<100x256xf32, #tpu.memory_space<vmem>>, vector<1x16xf32>,
        %swap3A_254 = vector.shape_cast %swap3A_253 : vector<1x16xf32> to vector<16xf32>
        %swap3A_255 = vector.shape_cast %select_n3A_250 : vector<16xf32> to vector<1x16xf32>
        tpu.vector_store %arg7[%swap3A_251, %swap3A_252], %swap3A_255 {strides = array<i32>} : memref<100x256xf32, #tpu.memory_space<vmem>>, vector<1x16xf32>,
        %get3A_256 = arith.index_cast %scan3A_233 : i32 to index
        %get3A_257 = arith.constant 32 : index
        %get3A_258 = tpu.vector_load %arg5[%get3A_256, %get3A_257] {strides = array<i32>} : memref<100x256xf32, #tpu.memory_space<vmem>>, vector<1x16xf32>,
        %get3A_259 = vector.shape_cast %get3A_258 : vector<1x16xf32> to vector<16xf32>
        %ne3A_260 = arith.cmpf one, %get3A_259, %get3A_259 : vector<16xf32>
        %select_n3A_261 = arith.select %ne3A_260, %get3A_236, %get3A_259 : vector<16xi1>, vector<16xf32>
        %swap3A_262 = arith.index_cast %scan3A_233 : i32 to index
        %swap3A_263 = arith.constant 32 : index
        %swap3A_264 = tpu.vector_load %arg7[%swap3A_262, %swap3A_263] {strides = array<i32>} : memref<100x256xf32, #tpu.memory_space<vmem>>, vector<1x16xf32>,
        %swap3A_265 = vector.shape_cast %swap3A_264 : vector<1x16xf32> to vector<16xf32>
        %swap3A_266 = vector.shape_cast %select_n3A_261 : vector<16xf32> to vector<1x16xf32>
        tpu.vector_store %arg7[%swap3A_262, %swap3A_263], %swap3A_266 {strides = array<i32>} : memref<100x256xf32, #tpu.memory_space<vmem>>, vector<1x16xf32>,
        %get3A_267 = arith.index_cast %scan3A_233 : i32 to index
        %get3A_268 = arith.constant 48 : index
        %get3A_269 = tpu.vector_load %arg5[%get3A_267, %get3A_268] {strides = array<i32>} : memref<100x256xf32, #tpu.memory_space<vmem>>, vector<1x16xf32>,
        %get3A_270 = vector.shape_cast %get3A_269 : vector<1x16xf32> to vector<16xf32>
        %ne3A_271 = arith.cmpf one, %get3A_270, %get3A_270 : vector<16xf32>
        %select_n3A_272 = arith.select %ne3A_271, %get3A_236, %get3A_270 : vector<16xi1>, vector<16xf32>
        %swap3A_273 = arith.index_cast %scan3A_233 : i32 to index
        %swap3A_274 = arith.constant 48 : index
        %swap3A_275 = tpu.vector_load %arg7[%swap3A_273, %swap3A_274] {strides = array<i32>} : memref<100x256xf32, #tpu.memory_space<vmem>>, vector<1x16xf32>,
        %swap3A_276 = vector.shape_cast %swap3A_275 : vector<1x16xf32> to vector<16xf32>
        %swap3A_277 = vector.shape_cast %select_n3A_272 : vector<16xf32> to vector<1x16xf32>
        tpu.vector_store %arg7[%swap3A_273, %swap3A_274], %swap3A_277 {strides = array<i32>} : memref<100x256xf32, #tpu.memory_space<vmem>>, vector<1x16xf32>,
        %get3A_278 = arith.index_cast %scan3A_233 : i32 to index
        %get3A_279 = arith.constant 64 : index
        %get3A_280 = tpu.vector_load %arg5[%get3A_278, %get3A_279] {strides = array<i32>} : memref<100x256xf32, #tpu.memory_space<vmem>>, vector<1x16xf32>,
        %get3A_281 = vector.shape_cast %get3A_280 : vector<1x16xf32> to vector<16xf32>
        %ne3A_282 = arith.cmpf one, %get3A_281, %get3A_281 : vector<16xf32>
        %select_n3A_283 = arith.select %ne3A_282, %get3A_236, %get3A_281 : vector<16xi1>, vector<16xf32>
        %swap3A_284 = arith.index_cast %scan3A_233 : i32 to index
        %swap3A_285 = arith.constant 64 : index
        %swap3A_286 = tpu.vector_load %arg7[%swap3A_284, %swap3A_285] {strides = array<i32>} : memref<100x256xf32, #tpu.memory_space<vmem>>, vector<1x16xf32>,
        %swap3A_287 = vector.shape_cast %swap3A_286 : vector<1x16xf32> to vector<16xf32>
        %swap3A_288 = vector.shape_cast %select_n3A_283 : vector<16xf32> to vector<1x16xf32>
        tpu.vector_store %arg7[%swap3A_284, %swap3A_285], %swap3A_288 {strides = array<i32>} : memref<100x256xf32, #tpu.memory_space<vmem>>, vector<1x16xf32>,
        %get3A_289 = arith.index_cast %scan3A_233 : i32 to index
        %get3A_290 = arith.constant 80 : index
        %get3A_291 = tpu.vector_load %arg5[%get3A_289, %get3A_290] {strides = array<i32>} : memref<100x256xf32, #tpu.memory_space<vmem>>, vector<1x16xf32>,
        %get3A_292 = vector.shape_cast %get3A_291 : vector<1x16xf32> to vector<16xf32>
        %ne3A_293 = arith.cmpf one, %get3A_292, %get3A_292 : vector<16xf32>
        %select_n3A_294 = arith.select %ne3A_293, %get3A_236, %get3A_292 : vector<16xi1>, vector<16xf32>
        %swap3A_295 = arith.index_cast %scan3A_233 : i32 to index
        %swap3A_296 = arith.constant 80 : index
        %swap3A_297 = tpu.vector_load %arg7[%swap3A_295, %swap3A_296] {strides = array<i32>} : memref<100x256xf32, #tpu.memory_space<vmem>>, vector<1x16xf32>,
        %swap3A_298 = vector.shape_cast %swap3A_297 : vector<1x16xf32> to vector<16xf32>
        %swap3A_299 = vector.shape_cast %select_n3A_294 : vector<16xf32> to vector<1x16xf32>
        tpu.vector_store %arg7[%swap3A_295, %swap3A_296], %swap3A_299 {strides = array<i32>} : memref<100x256xf32, #tpu.memory_space<vmem>>, vector<1x16xf32>,
        %get3A_300 = arith.index_cast %scan3A_233 : i32 to index
        %get3A_301 = arith.constant 96 : index
        %get3A_302 = tpu.vector_load %arg5[%get3A_300, %get3A_301] {strides = array<i32>} : memref<100x256xf32, #tpu.memory_space<vmem>>, vector<1x16xf32>,
        %get3A_303 = vector.shape_cast %get3A_302 : vector<1x16xf32> to vector<16xf32>
        %ne3A_304 = arith.cmpf one, %get3A_303, %get3A_303 : vector<16xf32>
        %select_n3A_305 = arith.select %ne3A_304, %get3A_236, %get3A_303 : vector<16xi1>, vector<16xf32>
        %swap3A_306 = arith.index_cast %scan3A_233 : i32 to index
        %swap3A_307 = arith.constant 96 : index
        %swap3A_308 = tpu.vector_load %arg7[%swap3A_306, %swap3A_307] {strides = array<i32>} : memref<100x256xf32, #tpu.memory_space<vmem>>, vector<1x16xf32>,
        %swap3A_309 = vector.shape_cast %swap3A_308 : vector<1x16xf32> to vector<16xf32>
        %swap3A_310 = vector.shape_cast %select_n3A_305 : vector<16xf32> to vector<1x16xf32>
        tpu.vector_store %arg7[%swap3A_306, %swap3A_307], %swap3A_310 {strides = array<i32>} : memref<100x256xf32, #tpu.memory_space<vmem>>, vector<1x16xf32>,
        %get3A_311 = arith.index_cast %scan3A_233 : i32 to index
        %get3A_312 = arith.constant 112 : index
        %get3A_313 = tpu.vector_load %arg5[%get3A_311, %get3A_312] {strides = array<i32>} : memref<100x256xf32, #tpu.memory_space<vmem>>, vector<1x16xf32>,
        %get3A_314 = vector.shape_cast %get3A_313 : vector<1x16xf32> to vector<16xf32>
        %ne3A_315 = arith.cmpf one, %get3A_314, %get3A_314 : vector<16xf32>
        %select_n3A_316 = arith.select %ne3A_315, %get3A_236, %get3A_314 : vector<16xi1>, vector<16xf32>
        %swap3A_317 = arith.index_cast %scan3A_233 : i32 to index
        %swap3A_318 = arith.constant 112 : index
        %swap3A_319 = tpu.vector_load %arg7[%swap3A_317, %swap3A_318] {strides = array<i32>} : memref<100x256xf32, #tpu.memory_space<vmem>>, vector<1x16xf32>,
        %swap3A_320 = vector.shape_cast %swap3A_319 : vector<1x16xf32> to vector<16xf32>
        %swap3A_321 = vector.shape_cast %select_n3A_316 : vector<16xf32> to vector<1x16xf32>
        tpu.vector_store %arg7[%swap3A_317, %swap3A_318], %swap3A_321 {strides = array<i32>} : memref<100x256xf32, #tpu.memory_space<vmem>>, vector<1x16xf32>,
        %get3A_322 = arith.index_cast %scan3A_233 : i32 to index
        %get3A_323 = arith.constant 128 : index
        %get3A_324 = tpu.vector_load %arg5[%get3A_322, %get3A_323] {strides = array<i32>} : memref<100x256xf32, #tpu.memory_space<vmem>>, vector<1x16xf32>,
        %get3A_325 = vector.shape_cast %get3A_324 : vector<1x16xf32> to vector<16xf32>
        %ne3A_326 = arith.cmpf one, %get3A_325, %get3A_325 : vector<16xf32>
        %select_n3A_327 = arith.select %ne3A_326, %get3A_236, %get3A_325 : vector<16xi1>, vector<16xf32>
        %swap3A_328 = arith.index_cast %scan3A_233 : i32 to index
        %swap3A_329 = arith.constant 128 : index
        %swap3A_330 = tpu.vector_load %arg7[%swap3A_328, %swap3A_329] {strides = array<i32>} : memref<100x256xf32, #tpu.memory_space<vmem>>, vector<1x16xf32>,
        %swap3A_331 = vector.shape_cast %swap3A_330 : vector<1x16xf32> to vector<16xf32>
        %swap3A_332 = vector.shape_cast %select_n3A_327 : vector<16xf32> to vector<1x16xf32>
        tpu.vector_store %arg7[%swap3A_328, %swap3A_329], %swap3A_332 {strides = array<i32>} : memref<100x256xf32, #tpu.memory_space<vmem>>, vector<1x16xf32>,
        %get3A_333 = arith.index_cast %scan3A_233 : i32 to index
        %get3A_334 = arith.constant 144 : index
        %get3A_335 = tpu.vector_load %arg5[%get3A_333, %get3A_334] {strides = array<i32>} : memref<100x256xf32, #tpu.memory_space<vmem>>, vector<1x16xf32>,
        %get3A_336 = vector.shape_cast %get3A_335 : vector<1x16xf32> to vector<16xf32>
        %ne3A_337 = arith.cmpf one, %get3A_336, %get3A_336 : vector<16xf32>
        %select_n3A_338 = arith.select %ne3A_337, %get3A_236, %get3A_336 : vector<16xi1>, vector<16xf32>
        %swap3A_339 = arith.index_cast %scan3A_233 : i32 to index
        %swap3A_340 = arith.constant 144 : index
        %swap3A_341 = tpu.vector_load %arg7[%swap3A_339, %swap3A_340] {strides = array<i32>} : memref<100x256xf32, #tpu.memory_space<vmem>>, vector<1x16xf32>,
        %swap3A_342 = vector.shape_cast %swap3A_341 : vector<1x16xf32> to vector<16xf32>
        %swap3A_343 = vector.shape_cast %select_n3A_338 : vector<16xf32> to vector<1x16xf32>
        tpu.vector_store %arg7[%swap3A_339, %swap3A_340], %swap3A_343 {strides = array<i32>} : memref<100x256xf32, #tpu.memory_space<vmem>>, vector<1x16xf32>,
        %get3A_344 = arith.index_cast %scan3A_233 : i32 to index
        %get3A_345 = arith.constant 160 : index
        %get3A_346 = tpu.vector_load %arg5[%get3A_344, %get3A_345] {strides = array<i32>} : memref<100x256xf32, #tpu.memory_space<vmem>>, vector<1x16xf32>,
        %get3A_347 = vector.shape_cast %get3A_346 : vector<1x16xf32> to vector<16xf32>
        %ne3A_348 = arith.cmpf one, %get3A_347, %get3A_347 : vector<16xf32>
        %select_n3A_349 = arith.select %ne3A_348, %get3A_236, %get3A_347 : vector<16xi1>, vector<16xf32>
        %swap3A_350 = arith.index_cast %scan3A_233 : i32 to index
        %swap3A_351 = arith.constant 160 : index
        %swap3A_352 = tpu.vector_load %arg7[%swap3A_350, %swap3A_351] {strides = array<i32>} : memref<100x256xf32, #tpu.memory_space<vmem>>, vector<1x16xf32>,
        %swap3A_353 = vector.shape_cast %swap3A_352 : vector<1x16xf32> to vector<16xf32>
        %swap3A_354 = vector.shape_cast %select_n3A_349 : vector<16xf32> to vector<1x16xf32>
        tpu.vector_store %arg7[%swap3A_350, %swap3A_351], %swap3A_354 {strides = array<i32>} : memref<100x256xf32, #tpu.memory_space<vmem>>, vector<1x16xf32>,
        %get3A_355 = arith.index_cast %scan3A_233 : i32 to index
        %get3A_356 = arith.constant 176 : index
        %get3A_357 = tpu.vector_load %arg5[%get3A_355, %get3A_356] {strides = array<i32>} : memref<100x256xf32, #tpu.memory_space<vmem>>, vector<1x16xf32>,
        %get3A_358 = vector.shape_cast %get3A_357 : vector<1x16xf32> to vector<16xf32>
        %ne3A_359 = arith.cmpf one, %get3A_358, %get3A_358 : vector<16xf32>
        %select_n3A_360 = arith.select %ne3A_359, %get3A_236, %get3A_358 : vector<16xi1>, vector<16xf32>
        %swap3A_361 = arith.index_cast %scan3A_233 : i32 to index
        %swap3A_362 = arith.constant 176 : index
        %swap3A_363 = tpu.vector_load %arg7[%swap3A_361, %swap3A_362] {strides = array<i32>} : memref<100x256xf32, #tpu.memory_space<vmem>>, vector<1x16xf32>,
        %swap3A_364 = vector.shape_cast %swap3A_363 : vector<1x16xf32> to vector<16xf32>
        %swap3A_365 = vector.shape_cast %select_n3A_360 : vector<16xf32> to vector<1x16xf32>
        tpu.vector_store %arg7[%swap3A_361, %swap3A_362], %swap3A_365 {strides = array<i32>} : memref<100x256xf32, #tpu.memory_space<vmem>>, vector<1x16xf32>,
        %get3A_366 = arith.index_cast %scan3A_233 : i32 to index
        %get3A_367 = arith.constant 192 : index
        %get3A_368 = tpu.vector_load %arg5[%get3A_366, %get3A_367] {strides = array<i32>} : memref<100x256xf32, #tpu.memory_space<vmem>>, vector<1x16xf32>,
        %get3A_369 = vector.shape_cast %get3A_368 : vector<1x16xf32> to vector<16xf32>
        %ne3A_370 = arith.cmpf one, %get3A_369, %get3A_369 : vector<16xf32>
        %select_n3A_371 = arith.select %ne3A_370, %get3A_236, %get3A_369 : vector<16xi1>, vector<16xf32>
        %swap3A_372 = arith.index_cast %scan3A_233 : i32 to index
        %swap3A_373 = arith.constant 192 : index
        %swap3A_374 = tpu.vector_load %arg7[%swap3A_372, %swap3A_373] {strides = array<i32>} : memref<100x256xf32, #tpu.memory_space<vmem>>, vector<1x16xf32>,
        %swap3A_375 = vector.shape_cast %swap3A_374 : vector<1x16xf32> to vector<16xf32>
        %swap3A_376 = vector.shape_cast %select_n3A_371 : vector<16xf32> to vector<1x16xf32>
        tpu.vector_store %arg7[%swap3A_372, %swap3A_373], %swap3A_376 {strides = array<i32>} : memref<100x256xf32, #tpu.memory_space<vmem>>, vector<1x16xf32>,
        %get3A_377 = arith.index_cast %scan3A_233 : i32 to index
        %get3A_378 = arith.constant 208 : index
        %get3A_379 = tpu.vector_load %arg5[%get3A_377, %get3A_378] {strides = array<i32>} : memref<100x256xf32, #tpu.memory_space<vmem>>, vector<1x16xf32>,
        %get3A_380 = vector.shape_cast %get3A_379 : vector<1x16xf32> to vector<16xf32>
        %ne3A_381 = arith.cmpf one, %get3A_380, %get3A_380 : vector<16xf32>
        %select_n3A_382 = arith.select %ne3A_381, %get3A_236, %get3A_380 : vector<16xi1>, vector<16xf32>
        %swap3A_383 = arith.index_cast %scan3A_233 : i32 to index
        %swap3A_384 = arith.constant 208 : index
        %swap3A_385 = tpu.vector_load %arg7[%swap3A_383, %swap3A_384] {strides = array<i32>} : memref<100x256xf32, #tpu.memory_space<vmem>>, vector<1x16xf32>,
        %swap3A_386 = vector.shape_cast %swap3A_385 : vector<1x16xf32> to vector<16xf32>
        %swap3A_387 = vector.shape_cast %select_n3A_382 : vector<16xf32> to vector<1x16xf32>
        tpu.vector_store %arg7[%swap3A_383, %swap3A_384], %swap3A_387 {strides = array<i32>} : memref<100x256xf32, #tpu.memory_space<vmem>>, vector<1x16xf32>,
        %get3A_388 = arith.index_cast %scan3A_233 : i32 to index
        %get3A_389 = arith.constant 224 : index
        %get3A_390 = tpu.vector_load %arg5[%get3A_388, %get3A_389] {strides = array<i32>} : memref<100x256xf32, #tpu.memory_space<vmem>>, vector<1x16xf32>,
        %get3A_391 = vector.shape_cast %get3A_390 : vector<1x16xf32> to vector<16xf32>
        %ne3A_392 = arith.cmpf one, %get3A_391, %get3A_391 : vector<16xf32>
        %select_n3A_393 = arith.select %ne3A_392, %get3A_236, %get3A_391 : vector<16xi1>, vector<16xf32>
        %swap3A_394 = arith.index_cast %scan3A_233 : i32 to index
        %swap3A_395 = arith.constant 224 : index
        %swap3A_396 = tpu.vector_load %arg7[%swap3A_394, %swap3A_395] {strides = array<i32>} : memref<100x256xf32, #tpu.memory_space<vmem>>, vector<1x16xf32>,
        %swap3A_397 = vector.shape_cast %swap3A_396 : vector<1x16xf32> to vector<16xf32>
        %swap3A_398 = vector.shape_cast %select_n3A_393 : vector<16xf32> to vector<1x16xf32>
        tpu.vector_store %arg7[%swap3A_394, %swap3A_395], %swap3A_398 {strides = array<i32>} : memref<100x256xf32, #tpu.memory_space<vmem>>, vector<1x16xf32>,
        %get3A_399 = arith.index_cast %scan3A_233 : i32 to index
        %get3A_400 = arith.constant 240 : index
        %get3A_401 = tpu.vector_load %arg5[%get3A_399, %get3A_400] {strides = array<i32>} : memref<100x256xf32, #tpu.memory_space<vmem>>, vector<1x16xf32>,
        %get3A_402 = vector.shape_cast %get3A_401 : vector<1x16xf32> to vector<16xf32>
        %ne3A_403 = arith.cmpf one, %get3A_402, %get3A_402 : vector<16xf32>
        %select_n3A_404 = arith.select %ne3A_403, %get3A_236, %get3A_402 : vector<16xi1>, vector<16xf32>
        %swap3A_405 = arith.index_cast %scan3A_233 : i32 to index
        %swap3A_406 = arith.constant 240 : index
        %swap3A_407 = tpu.vector_load %arg7[%swap3A_405, %swap3A_406] {strides = array<i32>} : memref<100x256xf32, #tpu.memory_space<vmem>>, vector<1x16xf32>,
        %swap3A_408 = vector.shape_cast %swap3A_407 : vector<1x16xf32> to vector<16xf32>
        %swap3A_409 = vector.shape_cast %select_n3A_404 : vector<16xf32> to vector<1x16xf32>
        tpu.vector_store %arg7[%swap3A_405, %swap3A_406], %swap3A_409 {strides = array<i32>} : memref<100x256xf32, #tpu.memory_space<vmem>>, vector<1x16xf32>,
      }
      %scan3A_168 = arith.constant 100 : i32
      %mul3A_169 = arith.constant 256 : i32
      %mul3A_170 = arith.muli %add3A_145, %mul3A_169 : i32
      %add3A_171 = arith.addi %mul3A_2, %mul3A_170 : i32
      %multiple_of3A_172 = tpu.assume_multiple %add3A_171, 128 : i32
      %dma_start3A_173 = arith.constant 0 : i32
      %dma_start3A_174 = tpu.memref_slice %arg4[%dma_start3A_173, %multiple_of3A_172] : memref<100x262144xf32, #tpu.memory_space<hbm>> -> memref<100x256xf32, #tpu.memory_space<hbm>>
      %dma_start3A_175 = arith.constant 0 : i32
      %dma_start3A_176 = tpu.memref_slice %arg4[%dma_start3A_175, %multiple_of3A_172] : memref<100x262144xf32, #tpu.memory_space<hbm>> -> memref<100x256xf32, #tpu.memory_space<hbm>>
      tpu.enqueue_dma source(%arg7 : memref<100x256xf32, #tpu.memory_space<vmem>>) target(%dma_start3A_176 : memref<100x256xf32, #tpu.memory_space<hbm>>) target_semaphore(%arg12 : memref<!tpu.dma_semaphore, #tpu.memory_space<semaphore_mem>>)
      %add3A_177 = arith.constant 2 : i32
      %add3A_178 = arith.addi %add3A_145, %add3A_177 : i32
      %mul3A_179 = arith.constant 256 : i32
      %mul3A_180 = arith.muli %add3A_178, %mul3A_179 : i32
      %add3A_181 = arith.addi %mul3A_2, %mul3A_180 : i32
      %multiple_of3A_182 = tpu.assume_multiple %add3A_181, 128 : i32
      %dma_start3A_183 = arith.constant 0 : i32
      %dma_start3A_184 = tpu.memref_slice %arg2[%dma_start3A_183, %multiple_of3A_182] : memref<100x262144xf32, #tpu.memory_space<hbm>> -> memref<100x256xf32, #tpu.memory_space<hbm>>
      %dma_start3A_185 = arith.constant 0 : i32
      %dma_start3A_186 = tpu.memref_slice %arg2[%dma_start3A_185, %multiple_of3A_182] : memref<100x262144xf32, #tpu.memory_space<hbm>> -> memref<100x256xf32, #tpu.memory_space<hbm>>
      tpu.enqueue_dma source(%dma_start3A_186 : memref<100x256xf32, #tpu.memory_space<hbm>>) target(%arg5 : memref<100x256xf32, #tpu.memory_space<vmem>>) target_semaphore(%arg10 : memref<!tpu.dma_semaphore, #tpu.memory_space<semaphore_mem>>)
      %mul3A_187 = arith.constant 2 : i32
      %mul3A_188 = arith.muli %scan3A_141, %mul3A_187 : i32
      %add3A_189 = arith.constant 1 : i32
      %add3A_190 = arith.addi %mul3A_188, %add3A_189 : i32
      %mul3A_191 = arith.constant 256 : i32
      %mul3A_192 = arith.muli %add3A_190, %mul3A_191 : i32
      %add3A_193 = arith.addi %mul3A_2, %mul3A_192 : i32
      %multiple_of3A_194 = tpu.assume_multiple %add3A_193, 128 : i32
      %dma_wait3A_195 = arith.constant 0 : i32
      %dma_wait3A_196 = tpu.memref_slice %arg2[%dma_wait3A_195, %multiple_of3A_194] : memref<100x262144xf32, #tpu.memory_space<hbm>> -> memref<100x256xf32, #tpu.memory_space<hbm>>
      %dma_wait3A_197 = arith.constant 0 : i32
      %dma_wait3A_198 = tpu.memref_slice %arg2[%dma_wait3A_197, %multiple_of3A_194] : memref<100x262144xf32, #tpu.memory_space<hbm>> -> memref<100x256xf32, #tpu.memory_space<hbm>>
      tpu.wait_dma2 semaphore(%arg11 : memref<!tpu.dma_semaphore, #tpu.memory_space<semaphore_mem>>) src(%dma_wait3A_198 : memref<100x256xf32, #tpu.memory_space<hbm>>) dst(%arg6 : memref<100x256xf32, #tpu.memory_space<vmem>>)
      %sub3A_199 = arith.constant 2 : i32
      %sub3A_200 = arith.subi %add3A_190, %sub3A_199 : i32
      %mul3A_201 = arith.constant 256 : i32
      %mul3A_202 = arith.muli %sub3A_200, %mul3A_201 : i32
      %add3A_203 = arith.addi %mul3A_2, %mul3A_202 : i32
      %multiple_of3A_204 = tpu.assume_multiple %add3A_203, 128 : i32
      %dma_wait3A_205 = arith.constant 0 : i32
      %dma_wait3A_206 = tpu.memref_slice %arg4[%dma_wait3A_205, %multiple_of3A_204] : memref<100x262144xf32, #tpu.memory_space<hbm>> -> memref<100x256xf32, #tpu.memory_space<hbm>>
      %dma_wait3A_207 = arith.constant 0 : i32
      %dma_wait3A_208 = tpu.memref_slice %arg4[%dma_wait3A_207, %multiple_of3A_204] : memref<100x262144xf32, #tpu.memory_space<hbm>> -> memref<100x256xf32, #tpu.memory_space<hbm>>
      tpu.wait_dma2 semaphore(%arg13 : memref<!tpu.dma_semaphore, #tpu.memory_space<semaphore_mem>>) src(%arg8 : memref<100x256xf32, #tpu.memory_space<vmem>>) dst(%dma_wait3A_208 : memref<100x256xf32, #tpu.memory_space<hbm>>)
      %scan3A_209 = arith.constant 0 : i32
      %scan3A_210 = arith.constant 0 : i32
      %scan3A_211 = arith.constant 100 : i32
      %scan3A_212 = arith.addi %scan3A_210, %scan3A_211 : i32
      %scan3A_213 = arith.constant 1 : i32
      scf.for %scan3A_233 = %scan3A_210 to %scan3A_212 step %scan3A_213  : i32 {
        %get3A = arith.index_cast %scan3A_233 : i32 to index
        %get3A_234 = arith.constant 0 : index
        %get3A_235 = tpu.vector_load %arg9[%get3A, %get3A_234] {strides = array<i32>} : memref<100x16xf32, #tpu.memory_space<vmem>>, vector<1x16xf32>,
        %get3A_236 = vector.shape_cast %get3A_235 : vector<1x16xf32> to vector<16xf32>
        %get3A_237 = arith.index_cast %scan3A_233 : i32 to index
        %get3A_238 = arith.constant 0 : index
        %get3A_239 = tpu.vector_load %arg6[%get3A_237, %get3A_238] {strides = array<i32>} : memref<100x256xf32, #tpu.memory_space<vmem>>, vector<1x16xf32>,
        %get3A_240 = vector.shape_cast %get3A_239 : vector<1x16xf32> to vector<16xf32>
        %ne3A = arith.cmpf one, %get3A_240, %get3A_240 : vector<16xf32>
        %select_n3A = arith.select %ne3A, %get3A_236, %get3A_240 : vector<16xi1>, vector<16xf32>
        %swap3A = arith.index_cast %scan3A_233 : i32 to index
        %swap3A_241 = arith.constant 0 : index
        %swap3A_242 = tpu.vector_load %arg8[%swap3A, %swap3A_241] {strides = array<i32>} : memref<100x256xf32, #tpu.memory_space<vmem>>, vector<1x16xf32>,
        %swap3A_243 = vector.shape_cast %swap3A_242 : vector<1x16xf32> to vector<16xf32>
        %swap3A_244 = vector.shape_cast %select_n3A : vector<16xf32> to vector<1x16xf32>
        tpu.vector_store %arg8[%swap3A, %swap3A_241], %swap3A_244 {strides = array<i32>} : memref<100x256xf32, #tpu.memory_space<vmem>>, vector<1x16xf32>,
        %get3A_245 = arith.index_cast %scan3A_233 : i32 to index
        %get3A_246 = arith.constant 16 : index
        %get3A_247 = tpu.vector_load %arg6[%get3A_245, %get3A_246] {strides = array<i32>} : memref<100x256xf32, #tpu.memory_space<vmem>>, vector<1x16xf32>,
        %get3A_248 = vector.shape_cast %get3A_247 : vector<1x16xf32> to vector<16xf32>
        %ne3A_249 = arith.cmpf one, %get3A_248, %get3A_248 : vector<16xf32>
        %select_n3A_250 = arith.select %ne3A_249, %get3A_236, %get3A_248 : vector<16xi1>, vector<16xf32>
        %swap3A_251 = arith.index_cast %scan3A_233 : i32 to index
        %swap3A_252 = arith.constant 16 : index
        %swap3A_253 = tpu.vector_load %arg8[%swap3A_251, %swap3A_252] {strides = array<i32>} : memref<100x256xf32, #tpu.memory_space<vmem>>, vector<1x16xf32>,
        %swap3A_254 = vector.shape_cast %swap3A_253 : vector<1x16xf32> to vector<16xf32>
        %swap3A_255 = vector.shape_cast %select_n3A_250 : vector<16xf32> to vector<1x16xf32>
        tpu.vector_store %arg8[%swap3A_251, %swap3A_252], %swap3A_255 {strides = array<i32>} : memref<100x256xf32, #tpu.memory_space<vmem>>, vector<1x16xf32>,
        %get3A_256 = arith.index_cast %scan3A_233 : i32 to index
        %get3A_257 = arith.constant 32 : index
        %get3A_258 = tpu.vector_load %arg6[%get3A_256, %get3A_257] {strides = array<i32>} : memref<100x256xf32, #tpu.memory_space<vmem>>, vector<1x16xf32>,
        %get3A_259 = vector.shape_cast %get3A_258 : vector<1x16xf32> to vector<16xf32>
        %ne3A_260 = arith.cmpf one, %get3A_259, %get3A_259 : vector<16xf32>
        %select_n3A_261 = arith.select %ne3A_260, %get3A_236, %get3A_259 : vector<16xi1>, vector<16xf32>
        %swap3A_262 = arith.index_cast %scan3A_233 : i32 to index
        %swap3A_263 = arith.constant 32 : index
        %swap3A_264 = tpu.vector_load %arg8[%swap3A_262, %swap3A_263] {strides = array<i32>} : memref<100x256xf32, #tpu.memory_space<vmem>>, vector<1x16xf32>,
        %swap3A_265 = vector.shape_cast %swap3A_264 : vector<1x16xf32> to vector<16xf32>
        %swap3A_266 = vector.shape_cast %select_n3A_261 : vector<16xf32> to vector<1x16xf32>
        tpu.vector_store %arg8[%swap3A_262, %swap3A_263], %swap3A_266 {strides = array<i32>} : memref<100x256xf32, #tpu.memory_space<vmem>>, vector<1x16xf32>,
        %get3A_267 = arith.index_cast %scan3A_233 : i32 to index
        %get3A_268 = arith.constant 48 : index
        %get3A_269 = tpu.vector_load %arg6[%get3A_267, %get3A_268] {strides = array<i32>} : memref<100x256xf32, #tpu.memory_space<vmem>>, vector<1x16xf32>,
        %get3A_270 = vector.shape_cast %get3A_269 : vector<1x16xf32> to vector<16xf32>
        %ne3A_271 = arith.cmpf one, %get3A_270, %get3A_270 : vector<16xf32>
        %select_n3A_272 = arith.select %ne3A_271, %get3A_236, %get3A_270 : vector<16xi1>, vector<16xf32>
        %swap3A_273 = arith.index_cast %scan3A_233 : i32 to index
        %swap3A_274 = arith.constant 48 : index
        %swap3A_275 = tpu.vector_load %arg8[%swap3A_273, %swap3A_274] {strides = array<i32>} : memref<100x256xf32, #tpu.memory_space<vmem>>, vector<1x16xf32>,
        %swap3A_276 = vector.shape_cast %swap3A_275 : vector<1x16xf32> to vector<16xf32>
        %swap3A_277 = vector.shape_cast %select_n3A_272 : vector<16xf32> to vector<1x16xf32>
        tpu.vector_store %arg8[%swap3A_273, %swap3A_274], %swap3A_277 {strides = array<i32>} : memref<100x256xf32, #tpu.memory_space<vmem>>, vector<1x16xf32>,
        %get3A_278 = arith.index_cast %scan3A_233 : i32 to index
        %get3A_279 = arith.constant 64 : index
        %get3A_280 = tpu.vector_load %arg6[%get3A_278, %get3A_279] {strides = array<i32>} : memref<100x256xf32, #tpu.memory_space<vmem>>, vector<1x16xf32>,
        %get3A_281 = vector.shape_cast %get3A_280 : vector<1x16xf32> to vector<16xf32>
        %ne3A_282 = arith.cmpf one, %get3A_281, %get3A_281 : vector<16xf32>
        %select_n3A_283 = arith.select %ne3A_282, %get3A_236, %get3A_281 : vector<16xi1>, vector<16xf32>
        %swap3A_284 = arith.index_cast %scan3A_233 : i32 to index
        %swap3A_285 = arith.constant 64 : index
        %swap3A_286 = tpu.vector_load %arg8[%swap3A_284, %swap3A_285] {strides = array<i32>} : memref<100x256xf32, #tpu.memory_space<vmem>>, vector<1x16xf32>,
        %swap3A_287 = vector.shape_cast %swap3A_286 : vector<1x16xf32> to vector<16xf32>
        %swap3A_288 = vector.shape_cast %select_n3A_283 : vector<16xf32> to vector<1x16xf32>
        tpu.vector_store %arg8[%swap3A_284, %swap3A_285], %swap3A_288 {strides = array<i32>} : memref<100x256xf32, #tpu.memory_space<vmem>>, vector<1x16xf32>,
        %get3A_289 = arith.index_cast %scan3A_233 : i32 to index
        %get3A_290 = arith.constant 80 : index
        %get3A_291 = tpu.vector_load %arg6[%get3A_289, %get3A_290] {strides = array<i32>} : memref<100x256xf32, #tpu.memory_space<vmem>>, vector<1x16xf32>,
        %get3A_292 = vector.shape_cast %get3A_291 : vector<1x16xf32> to vector<16xf32>
        %ne3A_293 = arith.cmpf one, %get3A_292, %get3A_292 : vector<16xf32>
        %select_n3A_294 = arith.select %ne3A_293, %get3A_236, %get3A_292 : vector<16xi1>, vector<16xf32>
        %swap3A_295 = arith.index_cast %scan3A_233 : i32 to index
        %swap3A_296 = arith.constant 80 : index
        %swap3A_297 = tpu.vector_load %arg8[%swap3A_295, %swap3A_296] {strides = array<i32>} : memref<100x256xf32, #tpu.memory_space<vmem>>, vector<1x16xf32>,
        %swap3A_298 = vector.shape_cast %swap3A_297 : vector<1x16xf32> to vector<16xf32>
        %swap3A_299 = vector.shape_cast %select_n3A_294 : vector<16xf32> to vector<1x16xf32>
        tpu.vector_store %arg8[%swap3A_295, %swap3A_296], %swap3A_299 {strides = array<i32>} : memref<100x256xf32, #tpu.memory_space<vmem>>, vector<1x16xf32>,
        %get3A_300 = arith.index_cast %scan3A_233 : i32 to index
        %get3A_301 = arith.constant 96 : index
        %get3A_302 = tpu.vector_load %arg6[%get3A_300, %get3A_301] {strides = array<i32>} : memref<100x256xf32, #tpu.memory_space<vmem>>, vector<1x16xf32>,
        %get3A_303 = vector.shape_cast %get3A_302 : vector<1x16xf32> to vector<16xf32>
        %ne3A_304 = arith.cmpf one, %get3A_303, %get3A_303 : vector<16xf32>
        %select_n3A_305 = arith.select %ne3A_304, %get3A_236, %get3A_303 : vector<16xi1>, vector<16xf32>
        %swap3A_306 = arith.index_cast %scan3A_233 : i32 to index
        %swap3A_307 = arith.constant 96 : index
        %swap3A_308 = tpu.vector_load %arg8[%swap3A_306, %swap3A_307] {strides = array<i32>} : memref<100x256xf32, #tpu.memory_space<vmem>>, vector<1x16xf32>,
        %swap3A_309 = vector.shape_cast %swap3A_308 : vector<1x16xf32> to vector<16xf32>
        %swap3A_310 = vector.shape_cast %select_n3A_305 : vector<16xf32> to vector<1x16xf32>
        tpu.vector_store %arg8[%swap3A_306, %swap3A_307], %swap3A_310 {strides = array<i32>} : memref<100x256xf32, #tpu.memory_space<vmem>>, vector<1x16xf32>,
        %get3A_311 = arith.index_cast %scan3A_233 : i32 to index
        %get3A_312 = arith.constant 112 : index
        %get3A_313 = tpu.vector_load %arg6[%get3A_311, %get3A_312] {strides = array<i32>} : memref<100x256xf32, #tpu.memory_space<vmem>>, vector<1x16xf32>,
        %get3A_314 = vector.shape_cast %get3A_313 : vector<1x16xf32> to vector<16xf32>
        %ne3A_315 = arith.cmpf one, %get3A_314, %get3A_314 : vector<16xf32>
        %select_n3A_316 = arith.select %ne3A_315, %get3A_236, %get3A_314 : vector<16xi1>, vector<16xf32>
        %swap3A_317 = arith.index_cast %scan3A_233 : i32 to index
        %swap3A_318 = arith.constant 112 : index
        %swap3A_319 = tpu.vector_load %arg8[%swap3A_317, %swap3A_318] {strides = array<i32>} : memref<100x256xf32, #tpu.memory_space<vmem>>, vector<1x16xf32>,
        %swap3A_320 = vector.shape_cast %swap3A_319 : vector<1x16xf32> to vector<16xf32>
        %swap3A_321 = vector.shape_cast %select_n3A_316 : vector<16xf32> to vector<1x16xf32>
        tpu.vector_store %arg8[%swap3A_317, %swap3A_318], %swap3A_321 {strides = array<i32>} : memref<100x256xf32, #tpu.memory_space<vmem>>, vector<1x16xf32>,
        %get3A_322 = arith.index_cast %scan3A_233 : i32 to index
        %get3A_323 = arith.constant 128 : index
        %get3A_324 = tpu.vector_load %arg6[%get3A_322, %get3A_323] {strides = array<i32>} : memref<100x256xf32, #tpu.memory_space<vmem>>, vector<1x16xf32>,
        %get3A_325 = vector.shape_cast %get3A_324 : vector<1x16xf32> to vector<16xf32>
        %ne3A_326 = arith.cmpf one, %get3A_325, %get3A_325 : vector<16xf32>
        %select_n3A_327 = arith.select %ne3A_326, %get3A_236, %get3A_325 : vector<16xi1>, vector<16xf32>
        %swap3A_328 = arith.index_cast %scan3A_233 : i32 to index
        %swap3A_329 = arith.constant 128 : index
        %swap3A_330 = tpu.vector_load %arg8[%swap3A_328, %swap3A_329] {strides = array<i32>} : memref<100x256xf32, #tpu.memory_space<vmem>>, vector<1x16xf32>,
        %swap3A_331 = vector.shape_cast %swap3A_330 : vector<1x16xf32> to vector<16xf32>
        %swap3A_332 = vector.shape_cast %select_n3A_327 : vector<16xf32> to vector<1x16xf32>
        tpu.vector_store %arg8[%swap3A_328, %swap3A_329], %swap3A_332 {strides = array<i32>} : memref<100x256xf32, #tpu.memory_space<vmem>>, vector<1x16xf32>,
        %get3A_333 = arith.index_cast %scan3A_233 : i32 to index
        %get3A_334 = arith.constant 144 : index
        %get3A_335 = tpu.vector_load %arg6[%get3A_333, %get3A_334] {strides = array<i32>} : memref<100x256xf32, #tpu.memory_space<vmem>>, vector<1x16xf32>,
        %get3A_336 = vector.shape_cast %get3A_335 : vector<1x16xf32> to vector<16xf32>
        %ne3A_337 = arith.cmpf one, %get3A_336, %get3A_336 : vector<16xf32>
        %select_n3A_338 = arith.select %ne3A_337, %get3A_236, %get3A_336 : vector<16xi1>, vector<16xf32>
        %swap3A_339 = arith.index_cast %scan3A_233 : i32 to index
        %swap3A_340 = arith.constant 144 : index
        %swap3A_341 = tpu.vector_load %arg8[%swap3A_339, %swap3A_340] {strides = array<i32>} : memref<100x256xf32, #tpu.memory_space<vmem>>, vector<1x16xf32>,
        %swap3A_342 = vector.shape_cast %swap3A_341 : vector<1x16xf32> to vector<16xf32>
        %swap3A_343 = vector.shape_cast %select_n3A_338 : vector<16xf32> to vector<1x16xf32>
        tpu.vector_store %arg8[%swap3A_339, %swap3A_340], %swap3A_343 {strides = array<i32>} : memref<100x256xf32, #tpu.memory_space<vmem>>, vector<1x16xf32>,
        %get3A_344 = arith.index_cast %scan3A_233 : i32 to index
        %get3A_345 = arith.constant 160 : index
        %get3A_346 = tpu.vector_load %arg6[%get3A_344, %get3A_345] {strides = array<i32>} : memref<100x256xf32, #tpu.memory_space<vmem>>, vector<1x16xf32>,
        %get3A_347 = vector.shape_cast %get3A_346 : vector<1x16xf32> to vector<16xf32>
        %ne3A_348 = arith.cmpf one, %get3A_347, %get3A_347 : vector<16xf32>
        %select_n3A_349 = arith.select %ne3A_348, %get3A_236, %get3A_347 : vector<16xi1>, vector<16xf32>
        %swap3A_350 = arith.index_cast %scan3A_233 : i32 to index
        %swap3A_351 = arith.constant 160 : index
        %swap3A_352 = tpu.vector_load %arg8[%swap3A_350, %swap3A_351] {strides = array<i32>} : memref<100x256xf32, #tpu.memory_space<vmem>>, vector<1x16xf32>,
        %swap3A_353 = vector.shape_cast %swap3A_352 : vector<1x16xf32> to vector<16xf32>
        %swap3A_354 = vector.shape_cast %select_n3A_349 : vector<16xf32> to vector<1x16xf32>
        tpu.vector_store %arg8[%swap3A_350, %swap3A_351], %swap3A_354 {strides = array<i32>} : memref<100x256xf32, #tpu.memory_space<vmem>>, vector<1x16xf32>,
        %get3A_355 = arith.index_cast %scan3A_233 : i32 to index
        %get3A_356 = arith.constant 176 : index
        %get3A_357 = tpu.vector_load %arg6[%get3A_355, %get3A_356] {strides = array<i32>} : memref<100x256xf32, #tpu.memory_space<vmem>>, vector<1x16xf32>,
        %get3A_358 = vector.shape_cast %get3A_357 : vector<1x16xf32> to vector<16xf32>
        %ne3A_359 = arith.cmpf one, %get3A_358, %get3A_358 : vector<16xf32>
        %select_n3A_360 = arith.select %ne3A_359, %get3A_236, %get3A_358 : vector<16xi1>, vector<16xf32>
        %swap3A_361 = arith.index_cast %scan3A_233 : i32 to index
        %swap3A_362 = arith.constant 176 : index
        %swap3A_363 = tpu.vector_load %arg8[%swap3A_361, %swap3A_362] {strides = array<i32>} : memref<100x256xf32, #tpu.memory_space<vmem>>, vector<1x16xf32>,
        %swap3A_364 = vector.shape_cast %swap3A_363 : vector<1x16xf32> to vector<16xf32>
        %swap3A_365 = vector.shape_cast %select_n3A_360 : vector<16xf32> to vector<1x16xf32>
        tpu.vector_store %arg8[%swap3A_361, %swap3A_362], %swap3A_365 {strides = array<i32>} : memref<100x256xf32, #tpu.memory_space<vmem>>, vector<1x16xf32>,
        %get3A_366 = arith.index_cast %scan3A_233 : i32 to index
        %get3A_367 = arith.constant 192 : index
        %get3A_368 = tpu.vector_load %arg6[%get3A_366, %get3A_367] {strides = array<i32>} : memref<100x256xf32, #tpu.memory_space<vmem>>, vector<1x16xf32>,
        %get3A_369 = vector.shape_cast %get3A_368 : vector<1x16xf32> to vector<16xf32>
        %ne3A_370 = arith.cmpf one, %get3A_369, %get3A_369 : vector<16xf32>
        %select_n3A_371 = arith.select %ne3A_370, %get3A_236, %get3A_369 : vector<16xi1>, vector<16xf32>
        %swap3A_372 = arith.index_cast %scan3A_233 : i32 to index
        %swap3A_373 = arith.constant 192 : index
        %swap3A_374 = tpu.vector_load %arg8[%swap3A_372, %swap3A_373] {strides = array<i32>} : memref<100x256xf32, #tpu.memory_space<vmem>>, vector<1x16xf32>,
        %swap3A_375 = vector.shape_cast %swap3A_374 : vector<1x16xf32> to vector<16xf32>
        %swap3A_376 = vector.shape_cast %select_n3A_371 : vector<16xf32> to vector<1x16xf32>
        tpu.vector_store %arg8[%swap3A_372, %swap3A_373], %swap3A_376 {strides = array<i32>} : memref<100x256xf32, #tpu.memory_space<vmem>>, vector<1x16xf32>,
        %get3A_377 = arith.index_cast %scan3A_233 : i32 to index
        %get3A_378 = arith.constant 208 : index
        %get3A_379 = tpu.vector_load %arg6[%get3A_377, %get3A_378] {strides = array<i32>} : memref<100x256xf32, #tpu.memory_space<vmem>>, vector<1x16xf32>,
        %get3A_380 = vector.shape_cast %get3A_379 : vector<1x16xf32> to vector<16xf32>
        %ne3A_381 = arith.cmpf one, %get3A_380, %get3A_380 : vector<16xf32>
        %select_n3A_382 = arith.select %ne3A_381, %get3A_236, %get3A_380 : vector<16xi1>, vector<16xf32>
        %swap3A_383 = arith.index_cast %scan3A_233 : i32 to index
        %swap3A_384 = arith.constant 208 : index
        %swap3A_385 = tpu.vector_load %arg8[%swap3A_383, %swap3A_384] {strides = array<i32>} : memref<100x256xf32, #tpu.memory_space<vmem>>, vector<1x16xf32>,
        %swap3A_386 = vector.shape_cast %swap3A_385 : vector<1x16xf32> to vector<16xf32>
        %swap3A_387 = vector.shape_cast %select_n3A_382 : vector<16xf32> to vector<1x16xf32>
        tpu.vector_store %arg8[%swap3A_383, %swap3A_384], %swap3A_387 {strides = array<i32>} : memref<100x256xf32, #tpu.memory_space<vmem>>, vector<1x16xf32>,
        %get3A_388 = arith.index_cast %scan3A_233 : i32 to index
        %get3A_389 = arith.constant 224 : index
        %get3A_390 = tpu.vector_load %arg6[%get3A_388, %get3A_389] {strides = array<i32>} : memref<100x256xf32, #tpu.memory_space<vmem>>, vector<1x16xf32>,
        %get3A_391 = vector.shape_cast %get3A_390 : vector<1x16xf32> to vector<16xf32>
        %ne3A_392 = arith.cmpf one, %get3A_391, %get3A_391 : vector<16xf32>
        %select_n3A_393 = arith.select %ne3A_392, %get3A_236, %get3A_391 : vector<16xi1>, vector<16xf32>
        %swap3A_394 = arith.index_cast %scan3A_233 : i32 to index
        %swap3A_395 = arith.constant 224 : index
        %swap3A_396 = tpu.vector_load %arg8[%swap3A_394, %swap3A_395] {strides = array<i32>} : memref<100x256xf32, #tpu.memory_space<vmem>>, vector<1x16xf32>,
        %swap3A_397 = vector.shape_cast %swap3A_396 : vector<1x16xf32> to vector<16xf32>
        %swap3A_398 = vector.shape_cast %select_n3A_393 : vector<16xf32> to vector<1x16xf32>
        tpu.vector_store %arg8[%swap3A_394, %swap3A_395], %swap3A_398 {strides = array<i32>} : memref<100x256xf32, #tpu.memory_space<vmem>>, vector<1x16xf32>,
        %get3A_399 = arith.index_cast %scan3A_233 : i32 to index
        %get3A_400 = arith.constant 240 : index
        %get3A_401 = tpu.vector_load %arg6[%get3A_399, %get3A_400] {strides = array<i32>} : memref<100x256xf32, #tpu.memory_space<vmem>>, vector<1x16xf32>,
        %get3A_402 = vector.shape_cast %get3A_401 : vector<1x16xf32> to vector<16xf32>
        %ne3A_403 = arith.cmpf one, %get3A_402, %get3A_402 : vector<16xf32>
        %select_n3A_404 = arith.select %ne3A_403, %get3A_236, %get3A_402 : vector<16xi1>, vector<16xf32>
        %swap3A_405 = arith.index_cast %scan3A_233 : i32 to index
        %swap3A_406 = arith.constant 240 : index
        %swap3A_407 = tpu.vector_load %arg8[%swap3A_405, %swap3A_406] {strides = array<i32>} : memref<100x256xf32, #tpu.memory_space<vmem>>, vector<1x16xf32>,
        %swap3A_408 = vector.shape_cast %swap3A_407 : vector<1x16xf32> to vector<16xf32>
        %swap3A_409 = vector.shape_cast %select_n3A_404 : vector<16xf32> to vector<1x16xf32>
        tpu.vector_store %arg8[%swap3A_405, %swap3A_406], %swap3A_409 {strides = array<i32>} : memref<100x256xf32, #tpu.memory_space<vmem>>, vector<1x16xf32>,
      }
      %scan3A_214 = arith.constant 100 : i32
      %mul3A_215 = arith.constant 256 : i32
      %mul3A_216 = arith.muli %add3A_190, %mul3A_215 : i32
      %add3A_217 = arith.addi %mul3A_2, %mul3A_216 : i32
      %multiple_of3A_218 = tpu.assume_multiple %add3A_217, 128 : i32
      %dma_start3A_219 = arith.constant 0 : i32
      %dma_start3A_220 = tpu.memref_slice %arg4[%dma_start3A_219, %multiple_of3A_218] : memref<100x262144xf32, #tpu.memory_space<hbm>> -> memref<100x256xf32, #tpu.memory_space<hbm>>
      %dma_start3A_221 = arith.constant 0 : i32
      %dma_start3A_222 = tpu.memref_slice %arg4[%dma_start3A_221, %multiple_of3A_218] : memref<100x262144xf32, #tpu.memory_space<hbm>> -> memref<100x256xf32, #tpu.memory_space<hbm>>
      tpu.enqueue_dma source(%arg8 : memref<100x256xf32, #tpu.memory_space<vmem>>) target(%dma_start3A_222 : memref<100x256xf32, #tpu.memory_space<hbm>>) target_semaphore(%arg13 : memref<!tpu.dma_semaphore, #tpu.memory_space<semaphore_mem>>)
      %add3A_223 = arith.constant 2 : i32
      %add3A_224 = arith.addi %add3A_190, %add3A_223 : i32
      %mul3A_225 = arith.constant 256 : i32
      %mul3A_226 = arith.muli %add3A_224, %mul3A_225 : i32
      %add3A_227 = arith.addi %mul3A_2, %mul3A_226 : i32
      %multiple_of3A_228 = tpu.assume_multiple %add3A_227, 128 : i32
      %dma_start3A_229 = arith.constant 0 : i32
      %dma_start3A_230 = tpu.memref_slice %arg2[%dma_start3A_229, %multiple_of3A_228] : memref<100x262144xf32, #tpu.memory_space<hbm>> -> memref<100x256xf32, #tpu.memory_space<hbm>>
      %dma_start3A_231 = arith.constant 0 : i32
      %dma_start3A_232 = tpu.memref_slice %arg2[%dma_start3A_231, %multiple_of3A_228] : memref<100x262144xf32, #tpu.memory_space<hbm>> -> memref<100x256xf32, #tpu.memory_space<hbm>>
      tpu.enqueue_dma source(%dma_start3A_232 : memref<100x256xf32, #tpu.memory_space<hbm>>) target(%arg6 : memref<100x256xf32, #tpu.memory_space<vmem>>) target_semaphore(%arg11 : memref<!tpu.dma_semaphore, #tpu.memory_space<semaphore_mem>>)
    }
    %scan3A_72 = arith.constant 14 : i32
    %add3A_73 = arith.constant 7680 : i32
    %add3A_74 = arith.addi %mul3A_2, %add3A_73 : i32
    %multiple_of3A_75 = tpu.assume_multiple %add3A_74, 128 : i32
    %dma_wait3A_76 = arith.constant 0 : i32
    %dma_wait3A_77 = tpu.memref_slice %arg2[%dma_wait3A_76, %multiple_of3A_75] : memref<100x262144xf32, #tpu.memory_space<hbm>> -> memref<100x256xf32, #tpu.memory_space<hbm>>
    %dma_wait3A_78 = arith.constant 0 : i32
    %dma_wait3A_79 = tpu.memref_slice %arg2[%dma_wait3A_78, %multiple_of3A_75] : memref<100x262144xf32, #tpu.memory_space<hbm>> -> memref<100x256xf32, #tpu.memory_space<hbm>>
    tpu.wait_dma2 semaphore(%arg10 : memref<!tpu.dma_semaphore, #tpu.memory_space<semaphore_mem>>) src(%dma_wait3A_79 : memref<100x256xf32, #tpu.memory_space<hbm>>) dst(%arg5 : memref<100x256xf32, #tpu.memory_space<vmem>>)
    %add3A_80 = arith.constant 7168 : i32
    %add3A_81 = arith.addi %mul3A_2, %add3A_80 : i32
    %multiple_of3A_82 = tpu.assume_multiple %add3A_81, 128 : i32
    %dma_wait3A_83 = arith.constant 0 : i32
    %dma_wait3A_84 = tpu.memref_slice %arg4[%dma_wait3A_83, %multiple_of3A_82] : memref<100x262144xf32, #tpu.memory_space<hbm>> -> memref<100x256xf32, #tpu.memory_space<hbm>>
    %dma_wait3A_85 = arith.constant 0 : i32
    %dma_wait3A_86 = tpu.memref_slice %arg4[%dma_wait3A_85, %multiple_of3A_82] : memref<100x262144xf32, #tpu.memory_space<hbm>> -> memref<100x256xf32, #tpu.memory_space<hbm>>
    tpu.wait_dma2 semaphore(%arg12 : memref<!tpu.dma_semaphore, #tpu.memory_space<semaphore_mem>>) src(%arg7 : memref<100x256xf32, #tpu.memory_space<vmem>>) dst(%dma_wait3A_86 : memref<100x256xf32, #tpu.memory_space<hbm>>)
    %scan3A_87 = arith.constant 0 : i32
    %scan3A_88 = arith.constant 0 : i32
    %scan3A_89 = arith.constant 100 : i32
    %scan3A_90 = arith.addi %scan3A_88, %scan3A_89 : i32
    %scan3A_91 = arith.constant 1 : i32
    scf.for %scan3A_141 = %scan3A_88 to %scan3A_90 step %scan3A_91  : i32 {
      %get3A = arith.index_cast %scan3A_141 : i32 to index
      %get3A_142 = arith.constant 0 : index
      %get3A_143 = tpu.vector_load %arg9[%get3A, %get3A_142] {strides = array<i32>} : memref<100x16xf32, #tpu.memory_space<vmem>>, vector<1x16xf32>,
      %get3A_144 = vector.shape_cast %get3A_143 : vector<1x16xf32> to vector<16xf32>
      %get3A_145 = arith.index_cast %scan3A_141 : i32 to index
      %get3A_146 = arith.constant 0 : index
      %get3A_147 = tpu.vector_load %arg5[%get3A_145, %get3A_146] {strides = array<i32>} : memref<100x256xf32, #tpu.memory_space<vmem>>, vector<1x16xf32>,
      %get3A_148 = vector.shape_cast %get3A_147 : vector<1x16xf32> to vector<16xf32>
      %ne3A = arith.cmpf one, %get3A_148, %get3A_148 : vector<16xf32>
      %select_n3A = arith.select %ne3A, %get3A_144, %get3A_148 : vector<16xi1>, vector<16xf32>
      %swap3A = arith.index_cast %scan3A_141 : i32 to index
      %swap3A_149 = arith.constant 0 : index
      %swap3A_150 = tpu.vector_load %arg7[%swap3A, %swap3A_149] {strides = array<i32>} : memref<100x256xf32, #tpu.memory_space<vmem>>, vector<1x16xf32>,
      %swap3A_151 = vector.shape_cast %swap3A_150 : vector<1x16xf32> to vector<16xf32>
      %swap3A_152 = vector.shape_cast %select_n3A : vector<16xf32> to vector<1x16xf32>
      tpu.vector_store %arg7[%swap3A, %swap3A_149], %swap3A_152 {strides = array<i32>} : memref<100x256xf32, #tpu.memory_space<vmem>>, vector<1x16xf32>,
      %get3A_153 = arith.index_cast %scan3A_141 : i32 to index
      %get3A_154 = arith.constant 16 : index
      %get3A_155 = tpu.vector_load %arg5[%get3A_153, %get3A_154] {strides = array<i32>} : memref<100x256xf32, #tpu.memory_space<vmem>>, vector<1x16xf32>,
      %get3A_156 = vector.shape_cast %get3A_155 : vector<1x16xf32> to vector<16xf32>
      %ne3A_157 = arith.cmpf one, %get3A_156, %get3A_156 : vector<16xf32>
      %select_n3A_158 = arith.select %ne3A_157, %get3A_144, %get3A_156 : vector<16xi1>, vector<16xf32>
      %swap3A_159 = arith.index_cast %scan3A_141 : i32 to index
      %swap3A_160 = arith.constant 16 : index
      %swap3A_161 = tpu.vector_load %arg7[%swap3A_159, %swap3A_160] {strides = array<i32>} : memref<100x256xf32, #tpu.memory_space<vmem>>, vector<1x16xf32>,
      %swap3A_162 = vector.shape_cast %swap3A_161 : vector<1x16xf32> to vector<16xf32>
      %swap3A_163 = vector.shape_cast %select_n3A_158 : vector<16xf32> to vector<1x16xf32>
      tpu.vector_store %arg7[%swap3A_159, %swap3A_160], %swap3A_163 {strides = array<i32>} : memref<100x256xf32, #tpu.memory_space<vmem>>, vector<1x16xf32>,
      %get3A_164 = arith.index_cast %scan3A_141 : i32 to index
      %get3A_165 = arith.constant 32 : index
      %get3A_166 = tpu.vector_load %arg5[%get3A_164, %get3A_165] {strides = array<i32>} : memref<100x256xf32, #tpu.memory_space<vmem>>, vector<1x16xf32>,
      %get3A_167 = vector.shape_cast %get3A_166 : vector<1x16xf32> to vector<16xf32>
      %ne3A_168 = arith.cmpf one, %get3A_167, %get3A_167 : vector<16xf32>
      %select_n3A_169 = arith.select %ne3A_168, %get3A_144, %get3A_167 : vector<16xi1>, vector<16xf32>
      %swap3A_170 = arith.index_cast %scan3A_141 : i32 to index
      %swap3A_171 = arith.constant 32 : index
      %swap3A_172 = tpu.vector_load %arg7[%swap3A_170, %swap3A_171] {strides = array<i32>} : memref<100x256xf32, #tpu.memory_space<vmem>>, vector<1x16xf32>,
      %swap3A_173 = vector.shape_cast %swap3A_172 : vector<1x16xf32> to vector<16xf32>
      %swap3A_174 = vector.shape_cast %select_n3A_169 : vector<16xf32> to vector<1x16xf32>
      tpu.vector_store %arg7[%swap3A_170, %swap3A_171], %swap3A_174 {strides = array<i32>} : memref<100x256xf32, #tpu.memory_space<vmem>>, vector<1x16xf32>,
      %get3A_175 = arith.index_cast %scan3A_141 : i32 to index
      %get3A_176 = arith.constant 48 : index
      %get3A_177 = tpu.vector_load %arg5[%get3A_175, %get3A_176] {strides = array<i32>} : memref<100x256xf32, #tpu.memory_space<vmem>>, vector<1x16xf32>,
      %get3A_178 = vector.shape_cast %get3A_177 : vector<1x16xf32> to vector<16xf32>
      %ne3A_179 = arith.cmpf one, %get3A_178, %get3A_178 : vector<16xf32>
      %select_n3A_180 = arith.select %ne3A_179, %get3A_144, %get3A_178 : vector<16xi1>, vector<16xf32>
      %swap3A_181 = arith.index_cast %scan3A_141 : i32 to index
      %swap3A_182 = arith.constant 48 : index
      %swap3A_183 = tpu.vector_load %arg7[%swap3A_181, %swap3A_182] {strides = array<i32>} : memref<100x256xf32, #tpu.memory_space<vmem>>, vector<1x16xf32>,
      %swap3A_184 = vector.shape_cast %swap3A_183 : vector<1x16xf32> to vector<16xf32>
      %swap3A_185 = vector.shape_cast %select_n3A_180 : vector<16xf32> to vector<1x16xf32>
      tpu.vector_store %arg7[%swap3A_181, %swap3A_182], %swap3A_185 {strides = array<i32>} : memref<100x256xf32, #tpu.memory_space<vmem>>, vector<1x16xf32>,
      %get3A_186 = arith.index_cast %scan3A_141 : i32 to index
      %get3A_187 = arith.constant 64 : index
      %get3A_188 = tpu.vector_load %arg5[%get3A_186, %get3A_187] {strides = array<i32>} : memref<100x256xf32, #tpu.memory_space<vmem>>, vector<1x16xf32>,
      %get3A_189 = vector.shape_cast %get3A_188 : vector<1x16xf32> to vector<16xf32>
      %ne3A_190 = arith.cmpf one, %get3A_189, %get3A_189 : vector<16xf32>
      %select_n3A_191 = arith.select %ne3A_190, %get3A_144, %get3A_189 : vector<16xi1>, vector<16xf32>
      %swap3A_192 = arith.index_cast %scan3A_141 : i32 to index
      %swap3A_193 = arith.constant 64 : index
      %swap3A_194 = tpu.vector_load %arg7[%swap3A_192, %swap3A_193] {strides = array<i32>} : memref<100x256xf32, #tpu.memory_space<vmem>>, vector<1x16xf32>,
      %swap3A_195 = vector.shape_cast %swap3A_194 : vector<1x16xf32> to vector<16xf32>
      %swap3A_196 = vector.shape_cast %select_n3A_191 : vector<16xf32> to vector<1x16xf32>
      tpu.vector_store %arg7[%swap3A_192, %swap3A_193], %swap3A_196 {strides = array<i32>} : memref<100x256xf32, #tpu.memory_space<vmem>>, vector<1x16xf32>,
      %get3A_197 = arith.index_cast %scan3A_141 : i32 to index
      %get3A_198 = arith.constant 80 : index
      %get3A_199 = tpu.vector_load %arg5[%get3A_197, %get3A_198] {strides = array<i32>} : memref<100x256xf32, #tpu.memory_space<vmem>>, vector<1x16xf32>,
      %get3A_200 = vector.shape_cast %get3A_199 : vector<1x16xf32> to vector<16xf32>
      %ne3A_201 = arith.cmpf one, %get3A_200, %get3A_200 : vector<16xf32>
      %select_n3A_202 = arith.select %ne3A_201, %get3A_144, %get3A_200 : vector<16xi1>, vector<16xf32>
      %swap3A_203 = arith.index_cast %scan3A_141 : i32 to index
      %swap3A_204 = arith.constant 80 : index
      %swap3A_205 = tpu.vector_load %arg7[%swap3A_203, %swap3A_204] {strides = array<i32>} : memref<100x256xf32, #tpu.memory_space<vmem>>, vector<1x16xf32>,
      %swap3A_206 = vector.shape_cast %swap3A_205 : vector<1x16xf32> to vector<16xf32>
      %swap3A_207 = vector.shape_cast %select_n3A_202 : vector<16xf32> to vector<1x16xf32>
      tpu.vector_store %arg7[%swap3A_203, %swap3A_204], %swap3A_207 {strides = array<i32>} : memref<100x256xf32, #tpu.memory_space<vmem>>, vector<1x16xf32>,
      %get3A_208 = arith.index_cast %scan3A_141 : i32 to index
      %get3A_209 = arith.constant 96 : index
      %get3A_210 = tpu.vector_load %arg5[%get3A_208, %get3A_209] {strides = array<i32>} : memref<100x256xf32, #tpu.memory_space<vmem>>, vector<1x16xf32>,
      %get3A_211 = vector.shape_cast %get3A_210 : vector<1x16xf32> to vector<16xf32>
      %ne3A_212 = arith.cmpf one, %get3A_211, %get3A_211 : vector<16xf32>
      %select_n3A_213 = arith.select %ne3A_212, %get3A_144, %get3A_211 : vector<16xi1>, vector<16xf32>
      %swap3A_214 = arith.index_cast %scan3A_141 : i32 to index
      %swap3A_215 = arith.constant 96 : index
      %swap3A_216 = tpu.vector_load %arg7[%swap3A_214, %swap3A_215] {strides = array<i32>} : memref<100x256xf32, #tpu.memory_space<vmem>>, vector<1x16xf32>,
      %swap3A_217 = vector.shape_cast %swap3A_216 : vector<1x16xf32> to vector<16xf32>
      %swap3A_218 = vector.shape_cast %select_n3A_213 : vector<16xf32> to vector<1x16xf32>
      tpu.vector_store %arg7[%swap3A_214, %swap3A_215], %swap3A_218 {strides = array<i32>} : memref<100x256xf32, #tpu.memory_space<vmem>>, vector<1x16xf32>,
      %get3A_219 = arith.index_cast %scan3A_141 : i32 to index
      %get3A_220 = arith.constant 112 : index
      %get3A_221 = tpu.vector_load %arg5[%get3A_219, %get3A_220] {strides = array<i32>} : memref<100x256xf32, #tpu.memory_space<vmem>>, vector<1x16xf32>,
      %get3A_222 = vector.shape_cast %get3A_221 : vector<1x16xf32> to vector<16xf32>
      %ne3A_223 = arith.cmpf one, %get3A_222, %get3A_222 : vector<16xf32>
      %select_n3A_224 = arith.select %ne3A_223, %get3A_144, %get3A_222 : vector<16xi1>, vector<16xf32>
      %swap3A_225 = arith.index_cast %scan3A_141 : i32 to index
      %swap3A_226 = arith.constant 112 : index
      %swap3A_227 = tpu.vector_load %arg7[%swap3A_225, %swap3A_226] {strides = array<i32>} : memref<100x256xf32, #tpu.memory_space<vmem>>, vector<1x16xf32>,
      %swap3A_228 = vector.shape_cast %swap3A_227 : vector<1x16xf32> to vector<16xf32>
      %swap3A_229 = vector.shape_cast %select_n3A_224 : vector<16xf32> to vector<1x16xf32>
      tpu.vector_store %arg7[%swap3A_225, %swap3A_226], %swap3A_229 {strides = array<i32>} : memref<100x256xf32, #tpu.memory_space<vmem>>, vector<1x16xf32>,
      %get3A_230 = arith.index_cast %scan3A_141 : i32 to index
      %get3A_231 = arith.constant 128 : index
      %get3A_232 = tpu.vector_load %arg5[%get3A_230, %get3A_231] {strides = array<i32>} : memref<100x256xf32, #tpu.memory_space<vmem>>, vector<1x16xf32>,
      %get3A_233 = vector.shape_cast %get3A_232 : vector<1x16xf32> to vector<16xf32>
      %ne3A_234 = arith.cmpf one, %get3A_233, %get3A_233 : vector<16xf32>
      %select_n3A_235 = arith.select %ne3A_234, %get3A_144, %get3A_233 : vector<16xi1>, vector<16xf32>
      %swap3A_236 = arith.index_cast %scan3A_141 : i32 to index
      %swap3A_237 = arith.constant 128 : index
      %swap3A_238 = tpu.vector_load %arg7[%swap3A_236, %swap3A_237] {strides = array<i32>} : memref<100x256xf32, #tpu.memory_space<vmem>>, vector<1x16xf32>,
      %swap3A_239 = vector.shape_cast %swap3A_238 : vector<1x16xf32> to vector<16xf32>
      %swap3A_240 = vector.shape_cast %select_n3A_235 : vector<16xf32> to vector<1x16xf32>
      tpu.vector_store %arg7[%swap3A_236, %swap3A_237], %swap3A_240 {strides = array<i32>} : memref<100x256xf32, #tpu.memory_space<vmem>>, vector<1x16xf32>,
      %get3A_241 = arith.index_cast %scan3A_141 : i32 to index
      %get3A_242 = arith.constant 144 : index
      %get3A_243 = tpu.vector_load %arg5[%get3A_241, %get3A_242] {strides = array<i32>} : memref<100x256xf32, #tpu.memory_space<vmem>>, vector<1x16xf32>,
      %get3A_244 = vector.shape_cast %get3A_243 : vector<1x16xf32> to vector<16xf32>
      %ne3A_245 = arith.cmpf one, %get3A_244, %get3A_244 : vector<16xf32>
      %select_n3A_246 = arith.select %ne3A_245, %get3A_144, %get3A_244 : vector<16xi1>, vector<16xf32>
      %swap3A_247 = arith.index_cast %scan3A_141 : i32 to index
      %swap3A_248 = arith.constant 144 : index
      %swap3A_249 = tpu.vector_load %arg7[%swap3A_247, %swap3A_248] {strides = array<i32>} : memref<100x256xf32, #tpu.memory_space<vmem>>, vector<1x16xf32>,
      %swap3A_250 = vector.shape_cast %swap3A_249 : vector<1x16xf32> to vector<16xf32>
      %swap3A_251 = vector.shape_cast %select_n3A_246 : vector<16xf32> to vector<1x16xf32>
      tpu.vector_store %arg7[%swap3A_247, %swap3A_248], %swap3A_251 {strides = array<i32>} : memref<100x256xf32, #tpu.memory_space<vmem>>, vector<1x16xf32>,
      %get3A_252 = arith.index_cast %scan3A_141 : i32 to index
      %get3A_253 = arith.constant 160 : index
      %get3A_254 = tpu.vector_load %arg5[%get3A_252, %get3A_253] {strides = array<i32>} : memref<100x256xf32, #tpu.memory_space<vmem>>, vector<1x16xf32>,
      %get3A_255 = vector.shape_cast %get3A_254 : vector<1x16xf32> to vector<16xf32>
      %ne3A_256 = arith.cmpf one, %get3A_255, %get3A_255 : vector<16xf32>
      %select_n3A_257 = arith.select %ne3A_256, %get3A_144, %get3A_255 : vector<16xi1>, vector<16xf32>
      %swap3A_258 = arith.index_cast %scan3A_141 : i32 to index
      %swap3A_259 = arith.constant 160 : index
      %swap3A_260 = tpu.vector_load %arg7[%swap3A_258, %swap3A_259] {strides = array<i32>} : memref<100x256xf32, #tpu.memory_space<vmem>>, vector<1x16xf32>,
      %swap3A_261 = vector.shape_cast %swap3A_260 : vector<1x16xf32> to vector<16xf32>
      %swap3A_262 = vector.shape_cast %select_n3A_257 : vector<16xf32> to vector<1x16xf32>
      tpu.vector_store %arg7[%swap3A_258, %swap3A_259], %swap3A_262 {strides = array<i32>} : memref<100x256xf32, #tpu.memory_space<vmem>>, vector<1x16xf32>,
      %get3A_263 = arith.index_cast %scan3A_141 : i32 to index
      %get3A_264 = arith.constant 176 : index
      %get3A_265 = tpu.vector_load %arg5[%get3A_263, %get3A_264] {strides = array<i32>} : memref<100x256xf32, #tpu.memory_space<vmem>>, vector<1x16xf32>,
      %get3A_266 = vector.shape_cast %get3A_265 : vector<1x16xf32> to vector<16xf32>
      %ne3A_267 = arith.cmpf one, %get3A_266, %get3A_266 : vector<16xf32>
      %select_n3A_268 = arith.select %ne3A_267, %get3A_144, %get3A_266 : vector<16xi1>, vector<16xf32>
      %swap3A_269 = arith.index_cast %scan3A_141 : i32 to index
      %swap3A_270 = arith.constant 176 : index
      %swap3A_271 = tpu.vector_load %arg7[%swap3A_269, %swap3A_270] {strides = array<i32>} : memref<100x256xf32, #tpu.memory_space<vmem>>, vector<1x16xf32>,
      %swap3A_272 = vector.shape_cast %swap3A_271 : vector<1x16xf32> to vector<16xf32>
      %swap3A_273 = vector.shape_cast %select_n3A_268 : vector<16xf32> to vector<1x16xf32>
      tpu.vector_store %arg7[%swap3A_269, %swap3A_270], %swap3A_273 {strides = array<i32>} : memref<100x256xf32, #tpu.memory_space<vmem>>, vector<1x16xf32>,
      %get3A_274 = arith.index_cast %scan3A_141 : i32 to index
      %get3A_275 = arith.constant 192 : index
      %get3A_276 = tpu.vector_load %arg5[%get3A_274, %get3A_275] {strides = array<i32>} : memref<100x256xf32, #tpu.memory_space<vmem>>, vector<1x16xf32>,
      %get3A_277 = vector.shape_cast %get3A_276 : vector<1x16xf32> to vector<16xf32>
      %ne3A_278 = arith.cmpf one, %get3A_277, %get3A_277 : vector<16xf32>
      %select_n3A_279 = arith.select %ne3A_278, %get3A_144, %get3A_277 : vector<16xi1>, vector<16xf32>
      %swap3A_280 = arith.index_cast %scan3A_141 : i32 to index
      %swap3A_281 = arith.constant 192 : index
      %swap3A_282 = tpu.vector_load %arg7[%swap3A_280, %swap3A_281] {strides = array<i32>} : memref<100x256xf32, #tpu.memory_space<vmem>>, vector<1x16xf32>,
      %swap3A_283 = vector.shape_cast %swap3A_282 : vector<1x16xf32> to vector<16xf32>
      %swap3A_284 = vector.shape_cast %select_n3A_279 : vector<16xf32> to vector<1x16xf32>
      tpu.vector_store %arg7[%swap3A_280, %swap3A_281], %swap3A_284 {strides = array<i32>} : memref<100x256xf32, #tpu.memory_space<vmem>>, vector<1x16xf32>,
      %get3A_285 = arith.index_cast %scan3A_141 : i32 to index
      %get3A_286 = arith.constant 208 : index
      %get3A_287 = tpu.vector_load %arg5[%get3A_285, %get3A_286] {strides = array<i32>} : memref<100x256xf32, #tpu.memory_space<vmem>>, vector<1x16xf32>,
      %get3A_288 = vector.shape_cast %get3A_287 : vector<1x16xf32> to vector<16xf32>
      %ne3A_289 = arith.cmpf one, %get3A_288, %get3A_288 : vector<16xf32>
      %select_n3A_290 = arith.select %ne3A_289, %get3A_144, %get3A_288 : vector<16xi1>, vector<16xf32>
      %swap3A_291 = arith.index_cast %scan3A_141 : i32 to index
      %swap3A_292 = arith.constant 208 : index
      %swap3A_293 = tpu.vector_load %arg7[%swap3A_291, %swap3A_292] {strides = array<i32>} : memref<100x256xf32, #tpu.memory_space<vmem>>, vector<1x16xf32>,
      %swap3A_294 = vector.shape_cast %swap3A_293 : vector<1x16xf32> to vector<16xf32>
      %swap3A_295 = vector.shape_cast %select_n3A_290 : vector<16xf32> to vector<1x16xf32>
      tpu.vector_store %arg7[%swap3A_291, %swap3A_292], %swap3A_295 {strides = array<i32>} : memref<100x256xf32, #tpu.memory_space<vmem>>, vector<1x16xf32>,
      %get3A_296 = arith.index_cast %scan3A_141 : i32 to index
      %get3A_297 = arith.constant 224 : index
      %get3A_298 = tpu.vector_load %arg5[%get3A_296, %get3A_297] {strides = array<i32>} : memref<100x256xf32, #tpu.memory_space<vmem>>, vector<1x16xf32>,
      %get3A_299 = vector.shape_cast %get3A_298 : vector<1x16xf32> to vector<16xf32>
      %ne3A_300 = arith.cmpf one, %get3A_299, %get3A_299 : vector<16xf32>
      %select_n3A_301 = arith.select %ne3A_300, %get3A_144, %get3A_299 : vector<16xi1>, vector<16xf32>
      %swap3A_302 = arith.index_cast %scan3A_141 : i32 to index
      %swap3A_303 = arith.constant 224 : index
      %swap3A_304 = tpu.vector_load %arg7[%swap3A_302, %swap3A_303] {strides = array<i32>} : memref<100x256xf32, #tpu.memory_space<vmem>>, vector<1x16xf32>,
      %swap3A_305 = vector.shape_cast %swap3A_304 : vector<1x16xf32> to vector<16xf32>
      %swap3A_306 = vector.shape_cast %select_n3A_301 : vector<16xf32> to vector<1x16xf32>
      tpu.vector_store %arg7[%swap3A_302, %swap3A_303], %swap3A_306 {strides = array<i32>} : memref<100x256xf32, #tpu.memory_space<vmem>>, vector<1x16xf32>,
      %get3A_307 = arith.index_cast %scan3A_141 : i32 to index
      %get3A_308 = arith.constant 240 : index
      %get3A_309 = tpu.vector_load %arg5[%get3A_307, %get3A_308] {strides = array<i32>} : memref<100x256xf32, #tpu.memory_space<vmem>>, vector<1x16xf32>,
      %get3A_310 = vector.shape_cast %get3A_309 : vector<1x16xf32> to vector<16xf32>
      %ne3A_311 = arith.cmpf one, %get3A_310, %get3A_310 : vector<16xf32>
      %select_n3A_312 = arith.select %ne3A_311, %get3A_144, %get3A_310 : vector<16xi1>, vector<16xf32>
      %swap3A_313 = arith.index_cast %scan3A_141 : i32 to index
      %swap3A_314 = arith.constant 240 : index
      %swap3A_315 = tpu.vector_load %arg7[%swap3A_313, %swap3A_314] {strides = array<i32>} : memref<100x256xf32, #tpu.memory_space<vmem>>, vector<1x16xf32>,
      %swap3A_316 = vector.shape_cast %swap3A_315 : vector<1x16xf32> to vector<16xf32>
      %swap3A_317 = vector.shape_cast %select_n3A_312 : vector<16xf32> to vector<1x16xf32>
      tpu.vector_store %arg7[%swap3A_313, %swap3A_314], %swap3A_317 {strides = array<i32>} : memref<100x256xf32, #tpu.memory_space<vmem>>, vector<1x16xf32>,
    }
    %scan3A_92 = arith.constant 100 : i32
    %add3A_93 = arith.constant 7680 : i32
    %add3A_94 = arith.addi %mul3A_2, %add3A_93 : i32
    %multiple_of3A_95 = tpu.assume_multiple %add3A_94, 128 : i32
    %dma_start3A_96 = arith.constant 0 : i32
    %dma_start3A_97 = tpu.memref_slice %arg4[%dma_start3A_96, %multiple_of3A_95] : memref<100x262144xf32, #tpu.memory_space<hbm>> -> memref<100x256xf32, #tpu.memory_space<hbm>>
    %dma_start3A_98 = arith.constant 0 : i32
    %dma_start3A_99 = tpu.memref_slice %arg4[%dma_start3A_98, %multiple_of3A_95] : memref<100x262144xf32, #tpu.memory_space<hbm>> -> memref<100x256xf32, #tpu.memory_space<hbm>>
    tpu.enqueue_dma source(%arg7 : memref<100x256xf32, #tpu.memory_space<vmem>>) target(%dma_start3A_99 : memref<100x256xf32, #tpu.memory_space<hbm>>) target_semaphore(%arg12 : memref<!tpu.dma_semaphore, #tpu.memory_space<semaphore_mem>>)
    %add3A_100 = arith.constant 7936 : i32
    %add3A_101 = arith.addi %mul3A_2, %add3A_100 : i32
    %multiple_of3A_102 = tpu.assume_multiple %add3A_101, 128 : i32
    %dma_wait3A_103 = arith.constant 0 : i32
    %dma_wait3A_104 = tpu.memref_slice %arg2[%dma_wait3A_103, %multiple_of3A_102] : memref<100x262144xf32, #tpu.memory_space<hbm>> -> memref<100x256xf32, #tpu.memory_space<hbm>>
    %dma_wait3A_105 = arith.constant 0 : i32
    %dma_wait3A_106 = tpu.memref_slice %arg2[%dma_wait3A_105, %multiple_of3A_102] : memref<100x262144xf32, #tpu.memory_space<hbm>> -> memref<100x256xf32, #tpu.memory_space<hbm>>
    tpu.wait_dma2 semaphore(%arg11 : memref<!tpu.dma_semaphore, #tpu.memory_space<semaphore_mem>>) src(%dma_wait3A_106 : memref<100x256xf32, #tpu.memory_space<hbm>>) dst(%arg6 : memref<100x256xf32, #tpu.memory_space<vmem>>)
    %add3A_107 = arith.constant 7424 : i32
    %add3A_108 = arith.addi %mul3A_2, %add3A_107 : i32
    %multiple_of3A_109 = tpu.assume_multiple %add3A_108, 128 : i32
    %dma_wait3A_110 = arith.constant 0 : i32
    %dma_wait3A_111 = tpu.memref_slice %arg4[%dma_wait3A_110, %multiple_of3A_109] : memref<100x262144xf32, #tpu.memory_space<hbm>> -> memref<100x256xf32, #tpu.memory_space<hbm>>
    %dma_wait3A_112 = arith.constant 0 : i32
    %dma_wait3A_113 = tpu.memref_slice %arg4[%dma_wait3A_112, %multiple_of3A_109] : memref<100x262144xf32, #tpu.memory_space<hbm>> -> memref<100x256xf32, #tpu.memory_space<hbm>>
    tpu.wait_dma2 semaphore(%arg13 : memref<!tpu.dma_semaphore, #tpu.memory_space<semaphore_mem>>) src(%arg8 : memref<100x256xf32, #tpu.memory_space<vmem>>) dst(%dma_wait3A_113 : memref<100x256xf32, #tpu.memory_space<hbm>>)
    %scan3A_114 = arith.constant 0 : i32
    %scan3A_115 = arith.constant 0 : i32
    %scan3A_116 = arith.constant 100 : i32
    %scan3A_117 = arith.addi %scan3A_115, %scan3A_116 : i32
    %scan3A_118 = arith.constant 1 : i32
    scf.for %scan3A_141 = %scan3A_115 to %scan3A_117 step %scan3A_118  : i32 {
      %get3A = arith.index_cast %scan3A_141 : i32 to index
      %get3A_142 = arith.constant 0 : index
      %get3A_143 = tpu.vector_load %arg9[%get3A, %get3A_142] {strides = array<i32>} : memref<100x16xf32, #tpu.memory_space<vmem>>, vector<1x16xf32>,
      %get3A_144 = vector.shape_cast %get3A_143 : vector<1x16xf32> to vector<16xf32>
      %get3A_145 = arith.index_cast %scan3A_141 : i32 to index
      %get3A_146 = arith.constant 0 : index
      %get3A_147 = tpu.vector_load %arg6[%get3A_145, %get3A_146] {strides = array<i32>} : memref<100x256xf32, #tpu.memory_space<vmem>>, vector<1x16xf32>,
      %get3A_148 = vector.shape_cast %get3A_147 : vector<1x16xf32> to vector<16xf32>
      %ne3A = arith.cmpf one, %get3A_148, %get3A_148 : vector<16xf32>
      %select_n3A = arith.select %ne3A, %get3A_144, %get3A_148 : vector<16xi1>, vector<16xf32>
      %swap3A = arith.index_cast %scan3A_141 : i32 to index
      %swap3A_149 = arith.constant 0 : index
      %swap3A_150 = tpu.vector_load %arg8[%swap3A, %swap3A_149] {strides = array<i32>} : memref<100x256xf32, #tpu.memory_space<vmem>>, vector<1x16xf32>,
      %swap3A_151 = vector.shape_cast %swap3A_150 : vector<1x16xf32> to vector<16xf32>
      %swap3A_152 = vector.shape_cast %select_n3A : vector<16xf32> to vector<1x16xf32>
      tpu.vector_store %arg8[%swap3A, %swap3A_149], %swap3A_152 {strides = array<i32>} : memref<100x256xf32, #tpu.memory_space<vmem>>, vector<1x16xf32>,
      %get3A_153 = arith.index_cast %scan3A_141 : i32 to index
      %get3A_154 = arith.constant 16 : index
      %get3A_155 = tpu.vector_load %arg6[%get3A_153, %get3A_154] {strides = array<i32>} : memref<100x256xf32, #tpu.memory_space<vmem>>, vector<1x16xf32>,
      %get3A_156 = vector.shape_cast %get3A_155 : vector<1x16xf32> to vector<16xf32>
      %ne3A_157 = arith.cmpf one, %get3A_156, %get3A_156 : vector<16xf32>
      %select_n3A_158 = arith.select %ne3A_157, %get3A_144, %get3A_156 : vector<16xi1>, vector<16xf32>
      %swap3A_159 = arith.index_cast %scan3A_141 : i32 to index
      %swap3A_160 = arith.constant 16 : index
      %swap3A_161 = tpu.vector_load %arg8[%swap3A_159, %swap3A_160] {strides = array<i32>} : memref<100x256xf32, #tpu.memory_space<vmem>>, vector<1x16xf32>,
      %swap3A_162 = vector.shape_cast %swap3A_161 : vector<1x16xf32> to vector<16xf32>
      %swap3A_163 = vector.shape_cast %select_n3A_158 : vector<16xf32> to vector<1x16xf32>
      tpu.vector_store %arg8[%swap3A_159, %swap3A_160], %swap3A_163 {strides = array<i32>} : memref<100x256xf32, #tpu.memory_space<vmem>>, vector<1x16xf32>,
      %get3A_164 = arith.index_cast %scan3A_141 : i32 to index
      %get3A_165 = arith.constant 32 : index
      %get3A_166 = tpu.vector_load %arg6[%get3A_164, %get3A_165] {strides = array<i32>} : memref<100x256xf32, #tpu.memory_space<vmem>>, vector<1x16xf32>,
      %get3A_167 = vector.shape_cast %get3A_166 : vector<1x16xf32> to vector<16xf32>
      %ne3A_168 = arith.cmpf one, %get3A_167, %get3A_167 : vector<16xf32>
      %select_n3A_169 = arith.select %ne3A_168, %get3A_144, %get3A_167 : vector<16xi1>, vector<16xf32>
      %swap3A_170 = arith.index_cast %scan3A_141 : i32 to index
      %swap3A_171 = arith.constant 32 : index
      %swap3A_172 = tpu.vector_load %arg8[%swap3A_170, %swap3A_171] {strides = array<i32>} : memref<100x256xf32, #tpu.memory_space<vmem>>, vector<1x16xf32>,
      %swap3A_173 = vector.shape_cast %swap3A_172 : vector<1x16xf32> to vector<16xf32>
      %swap3A_174 = vector.shape_cast %select_n3A_169 : vector<16xf32> to vector<1x16xf32>
      tpu.vector_store %arg8[%swap3A_170, %swap3A_171], %swap3A_174 {strides = array<i32>} : memref<100x256xf32, #tpu.memory_space<vmem>>, vector<1x16xf32>,
      %get3A_175 = arith.index_cast %scan3A_141 : i32 to index
      %get3A_176 = arith.constant 48 : index
      %get3A_177 = tpu.vector_load %arg6[%get3A_175, %get3A_176] {strides = array<i32>} : memref<100x256xf32, #tpu.memory_space<vmem>>, vector<1x16xf32>,
      %get3A_178 = vector.shape_cast %get3A_177 : vector<1x16xf32> to vector<16xf32>
      %ne3A_179 = arith.cmpf one, %get3A_178, %get3A_178 : vector<16xf32>
      %select_n3A_180 = arith.select %ne3A_179, %get3A_144, %get3A_178 : vector<16xi1>, vector<16xf32>
      %swap3A_181 = arith.index_cast %scan3A_141 : i32 to index
      %swap3A_182 = arith.constant 48 : index
      %swap3A_183 = tpu.vector_load %arg8[%swap3A_181, %swap3A_182] {strides = array<i32>} : memref<100x256xf32, #tpu.memory_space<vmem>>, vector<1x16xf32>,
      %swap3A_184 = vector.shape_cast %swap3A_183 : vector<1x16xf32> to vector<16xf32>
      %swap3A_185 = vector.shape_cast %select_n3A_180 : vector<16xf32> to vector<1x16xf32>
      tpu.vector_store %arg8[%swap3A_181, %swap3A_182], %swap3A_185 {strides = array<i32>} : memref<100x256xf32, #tpu.memory_space<vmem>>, vector<1x16xf32>,
      %get3A_186 = arith.index_cast %scan3A_141 : i32 to index
      %get3A_187 = arith.constant 64 : index
      %get3A_188 = tpu.vector_load %arg6[%get3A_186, %get3A_187] {strides = array<i32>} : memref<100x256xf32, #tpu.memory_space<vmem>>, vector<1x16xf32>,
      %get3A_189 = vector.shape_cast %get3A_188 : vector<1x16xf32> to vector<16xf32>
      %ne3A_190 = arith.cmpf one, %get3A_189, %get3A_189 : vector<16xf32>
      %select_n3A_191 = arith.select %ne3A_190, %get3A_144, %get3A_189 : vector<16xi1>, vector<16xf32>
      %swap3A_192 = arith.index_cast %scan3A_141 : i32 to index
      %swap3A_193 = arith.constant 64 : index
      %swap3A_194 = tpu.vector_load %arg8[%swap3A_192, %swap3A_193] {strides = array<i32>} : memref<100x256xf32, #tpu.memory_space<vmem>>, vector<1x16xf32>,
      %swap3A_195 = vector.shape_cast %swap3A_194 : vector<1x16xf32> to vector<16xf32>
      %swap3A_196 = vector.shape_cast %select_n3A_191 : vector<16xf32> to vector<1x16xf32>
      tpu.vector_store %arg8[%swap3A_192, %swap3A_193], %swap3A_196 {strides = array<i32>} : memref<100x256xf32, #tpu.memory_space<vmem>>, vector<1x16xf32>,
      %get3A_197 = arith.index_cast %scan3A_141 : i32 to index
      %get3A_198 = arith.constant 80 : index
      %get3A_199 = tpu.vector_load %arg6[%get3A_197, %get3A_198] {strides = array<i32>} : memref<100x256xf32, #tpu.memory_space<vmem>>, vector<1x16xf32>,
      %get3A_200 = vector.shape_cast %get3A_199 : vector<1x16xf32> to vector<16xf32>
      %ne3A_201 = arith.cmpf one, %get3A_200, %get3A_200 : vector<16xf32>
      %select_n3A_202 = arith.select %ne3A_201, %get3A_144, %get3A_200 : vector<16xi1>, vector<16xf32>
      %swap3A_203 = arith.index_cast %scan3A_141 : i32 to index
      %swap3A_204 = arith.constant 80 : index
      %swap3A_205 = tpu.vector_load %arg8[%swap3A_203, %swap3A_204] {strides = array<i32>} : memref<100x256xf32, #tpu.memory_space<vmem>>, vector<1x16xf32>,
      %swap3A_206 = vector.shape_cast %swap3A_205 : vector<1x16xf32> to vector<16xf32>
      %swap3A_207 = vector.shape_cast %select_n3A_202 : vector<16xf32> to vector<1x16xf32>
      tpu.vector_store %arg8[%swap3A_203, %swap3A_204], %swap3A_207 {strides = array<i32>} : memref<100x256xf32, #tpu.memory_space<vmem>>, vector<1x16xf32>,
      %get3A_208 = arith.index_cast %scan3A_141 : i32 to index
      %get3A_209 = arith.constant 96 : index
      %get3A_210 = tpu.vector_load %arg6[%get3A_208, %get3A_209] {strides = array<i32>} : memref<100x256xf32, #tpu.memory_space<vmem>>, vector<1x16xf32>,
      %get3A_211 = vector.shape_cast %get3A_210 : vector<1x16xf32> to vector<16xf32>
      %ne3A_212 = arith.cmpf one, %get3A_211, %get3A_211 : vector<16xf32>
      %select_n3A_213 = arith.select %ne3A_212, %get3A_144, %get3A_211 : vector<16xi1>, vector<16xf32>
      %swap3A_214 = arith.index_cast %scan3A_141 : i32 to index
      %swap3A_215 = arith.constant 96 : index
      %swap3A_216 = tpu.vector_load %arg8[%swap3A_214, %swap3A_215] {strides = array<i32>} : memref<100x256xf32, #tpu.memory_space<vmem>>, vector<1x16xf32>,
      %swap3A_217 = vector.shape_cast %swap3A_216 : vector<1x16xf32> to vector<16xf32>
      %swap3A_218 = vector.shape_cast %select_n3A_213 : vector<16xf32> to vector<1x16xf32>
      tpu.vector_store %arg8[%swap3A_214, %swap3A_215], %swap3A_218 {strides = array<i32>} : memref<100x256xf32, #tpu.memory_space<vmem>>, vector<1x16xf32>,
      %get3A_219 = arith.index_cast %scan3A_141 : i32 to index
      %get3A_220 = arith.constant 112 : index
      %get3A_221 = tpu.vector_load %arg6[%get3A_219, %get3A_220] {strides = array<i32>} : memref<100x256xf32, #tpu.memory_space<vmem>>, vector<1x16xf32>,
      %get3A_222 = vector.shape_cast %get3A_221 : vector<1x16xf32> to vector<16xf32>
      %ne3A_223 = arith.cmpf one, %get3A_222, %get3A_222 : vector<16xf32>
      %select_n3A_224 = arith.select %ne3A_223, %get3A_144, %get3A_222 : vector<16xi1>, vector<16xf32>
      %swap3A_225 = arith.index_cast %scan3A_141 : i32 to index
      %swap3A_226 = arith.constant 112 : index
      %swap3A_227 = tpu.vector_load %arg8[%swap3A_225, %swap3A_226] {strides = array<i32>} : memref<100x256xf32, #tpu.memory_space<vmem>>, vector<1x16xf32>,
      %swap3A_228 = vector.shape_cast %swap3A_227 : vector<1x16xf32> to vector<16xf32>
      %swap3A_229 = vector.shape_cast %select_n3A_224 : vector<16xf32> to vector<1x16xf32>
      tpu.vector_store %arg8[%swap3A_225, %swap3A_226], %swap3A_229 {strides = array<i32>} : memref<100x256xf32, #tpu.memory_space<vmem>>, vector<1x16xf32>,
      %get3A_230 = arith.index_cast %scan3A_141 : i32 to index
      %get3A_231 = arith.constant 128 : index
      %get3A_232 = tpu.vector_load %arg6[%get3A_230, %get3A_231] {strides = array<i32>} : memref<100x256xf32, #tpu.memory_space<vmem>>, vector<1x16xf32>,
      %get3A_233 = vector.shape_cast %get3A_232 : vector<1x16xf32> to vector<16xf32>
      %ne3A_234 = arith.cmpf one, %get3A_233, %get3A_233 : vector<16xf32>
      %select_n3A_235 = arith.select %ne3A_234, %get3A_144, %get3A_233 : vector<16xi1>, vector<16xf32>
      %swap3A_236 = arith.index_cast %scan3A_141 : i32 to index
      %swap3A_237 = arith.constant 128 : index
      %swap3A_238 = tpu.vector_load %arg8[%swap3A_236, %swap3A_237] {strides = array<i32>} : memref<100x256xf32, #tpu.memory_space<vmem>>, vector<1x16xf32>,
      %swap3A_239 = vector.shape_cast %swap3A_238 : vector<1x16xf32> to vector<16xf32>
      %swap3A_240 = vector.shape_cast %select_n3A_235 : vector<16xf32> to vector<1x16xf32>
      tpu.vector_store %arg8[%swap3A_236, %swap3A_237], %swap3A_240 {strides = array<i32>} : memref<100x256xf32, #tpu.memory_space<vmem>>, vector<1x16xf32>,
      %get3A_241 = arith.index_cast %scan3A_141 : i32 to index
      %get3A_242 = arith.constant 144 : index
      %get3A_243 = tpu.vector_load %arg6[%get3A_241, %get3A_242] {strides = array<i32>} : memref<100x256xf32, #tpu.memory_space<vmem>>, vector<1x16xf32>,
      %get3A_244 = vector.shape_cast %get3A_243 : vector<1x16xf32> to vector<16xf32>
      %ne3A_245 = arith.cmpf one, %get3A_244, %get3A_244 : vector<16xf32>
      %select_n3A_246 = arith.select %ne3A_245, %get3A_144, %get3A_244 : vector<16xi1>, vector<16xf32>
      %swap3A_247 = arith.index_cast %scan3A_141 : i32 to index
      %swap3A_248 = arith.constant 144 : index
      %swap3A_249 = tpu.vector_load %arg8[%swap3A_247, %swap3A_248] {strides = array<i32>} : memref<100x256xf32, #tpu.memory_space<vmem>>, vector<1x16xf32>,
      %swap3A_250 = vector.shape_cast %swap3A_249 : vector<1x16xf32> to vector<16xf32>
      %swap3A_251 = vector.shape_cast %select_n3A_246 : vector<16xf32> to vector<1x16xf32>
      tpu.vector_store %arg8[%swap3A_247, %swap3A_248], %swap3A_251 {strides = array<i32>} : memref<100x256xf32, #tpu.memory_space<vmem>>, vector<1x16xf32>,
      %get3A_252 = arith.index_cast %scan3A_141 : i32 to index
      %get3A_253 = arith.constant 160 : index
      %get3A_254 = tpu.vector_load %arg6[%get3A_252, %get3A_253] {strides = array<i32>} : memref<100x256xf32, #tpu.memory_space<vmem>>, vector<1x16xf32>,
      %get3A_255 = vector.shape_cast %get3A_254 : vector<1x16xf32> to vector<16xf32>
      %ne3A_256 = arith.cmpf one, %get3A_255, %get3A_255 : vector<16xf32>
      %select_n3A_257 = arith.select %ne3A_256, %get3A_144, %get3A_255 : vector<16xi1>, vector<16xf32>
      %swap3A_258 = arith.index_cast %scan3A_141 : i32 to index
      %swap3A_259 = arith.constant 160 : index
      %swap3A_260 = tpu.vector_load %arg8[%swap3A_258, %swap3A_259] {strides = array<i32>} : memref<100x256xf32, #tpu.memory_space<vmem>>, vector<1x16xf32>,
      %swap3A_261 = vector.shape_cast %swap3A_260 : vector<1x16xf32> to vector<16xf32>
      %swap3A_262 = vector.shape_cast %select_n3A_257 : vector<16xf32> to vector<1x16xf32>
      tpu.vector_store %arg8[%swap3A_258, %swap3A_259], %swap3A_262 {strides = array<i32>} : memref<100x256xf32, #tpu.memory_space<vmem>>, vector<1x16xf32>,
      %get3A_263 = arith.index_cast %scan3A_141 : i32 to index
      %get3A_264 = arith.constant 176 : index
      %get3A_265 = tpu.vector_load %arg6[%get3A_263, %get3A_264] {strides = array<i32>} : memref<100x256xf32, #tpu.memory_space<vmem>>, vector<1x16xf32>,
      %get3A_266 = vector.shape_cast %get3A_265 : vector<1x16xf32> to vector<16xf32>
      %ne3A_267 = arith.cmpf one, %get3A_266, %get3A_266 : vector<16xf32>
      %select_n3A_268 = arith.select %ne3A_267, %get3A_144, %get3A_266 : vector<16xi1>, vector<16xf32>
      %swap3A_269 = arith.index_cast %scan3A_141 : i32 to index
      %swap3A_270 = arith.constant 176 : index
      %swap3A_271 = tpu.vector_load %arg8[%swap3A_269, %swap3A_270] {strides = array<i32>} : memref<100x256xf32, #tpu.memory_space<vmem>>, vector<1x16xf32>,
      %swap3A_272 = vector.shape_cast %swap3A_271 : vector<1x16xf32> to vector<16xf32>
      %swap3A_273 = vector.shape_cast %select_n3A_268 : vector<16xf32> to vector<1x16xf32>
      tpu.vector_store %arg8[%swap3A_269, %swap3A_270], %swap3A_273 {strides = array<i32>} : memref<100x256xf32, #tpu.memory_space<vmem>>, vector<1x16xf32>,
      %get3A_274 = arith.index_cast %scan3A_141 : i32 to index
      %get3A_275 = arith.constant 192 : index
      %get3A_276 = tpu.vector_load %arg6[%get3A_274, %get3A_275] {strides = array<i32>} : memref<100x256xf32, #tpu.memory_space<vmem>>, vector<1x16xf32>,
      %get3A_277 = vector.shape_cast %get3A_276 : vector<1x16xf32> to vector<16xf32>
      %ne3A_278 = arith.cmpf one, %get3A_277, %get3A_277 : vector<16xf32>
      %select_n3A_279 = arith.select %ne3A_278, %get3A_144, %get3A_277 : vector<16xi1>, vector<16xf32>
      %swap3A_280 = arith.index_cast %scan3A_141 : i32 to index
      %swap3A_281 = arith.constant 192 : index
      %swap3A_282 = tpu.vector_load %arg8[%swap3A_280, %swap3A_281] {strides = array<i32>} : memref<100x256xf32, #tpu.memory_space<vmem>>, vector<1x16xf32>,
      %swap3A_283 = vector.shape_cast %swap3A_282 : vector<1x16xf32> to vector<16xf32>
      %swap3A_284 = vector.shape_cast %select_n3A_279 : vector<16xf32> to vector<1x16xf32>
      tpu.vector_store %arg8[%swap3A_280, %swap3A_281], %swap3A_284 {strides = array<i32>} : memref<100x256xf32, #tpu.memory_space<vmem>>, vector<1x16xf32>,
      %get3A_285 = arith.index_cast %scan3A_141 : i32 to index
      %get3A_286 = arith.constant 208 : index
      %get3A_287 = tpu.vector_load %arg6[%get3A_285, %get3A_286] {strides = array<i32>} : memref<100x256xf32, #tpu.memory_space<vmem>>, vector<1x16xf32>,
      %get3A_288 = vector.shape_cast %get3A_287 : vector<1x16xf32> to vector<16xf32>
      %ne3A_289 = arith.cmpf one, %get3A_288, %get3A_288 : vector<16xf32>
      %select_n3A_290 = arith.select %ne3A_289, %get3A_144, %get3A_288 : vector<16xi1>, vector<16xf32>
      %swap3A_291 = arith.index_cast %scan3A_141 : i32 to index
      %swap3A_292 = arith.constant 208 : index
      %swap3A_293 = tpu.vector_load %arg8[%swap3A_291, %swap3A_292] {strides = array<i32>} : memref<100x256xf32, #tpu.memory_space<vmem>>, vector<1x16xf32>,
      %swap3A_294 = vector.shape_cast %swap3A_293 : vector<1x16xf32> to vector<16xf32>
      %swap3A_295 = vector.shape_cast %select_n3A_290 : vector<16xf32> to vector<1x16xf32>
      tpu.vector_store %arg8[%swap3A_291, %swap3A_292], %swap3A_295 {strides = array<i32>} : memref<100x256xf32, #tpu.memory_space<vmem>>, vector<1x16xf32>,
      %get3A_296 = arith.index_cast %scan3A_141 : i32 to index
      %get3A_297 = arith.constant 224 : index
      %get3A_298 = tpu.vector_load %arg6[%get3A_296, %get3A_297] {strides = array<i32>} : memref<100x256xf32, #tpu.memory_space<vmem>>, vector<1x16xf32>,
      %get3A_299 = vector.shape_cast %get3A_298 : vector<1x16xf32> to vector<16xf32>
      %ne3A_300 = arith.cmpf one, %get3A_299, %get3A_299 : vector<16xf32>
      %select_n3A_301 = arith.select %ne3A_300, %get3A_144, %get3A_299 : vector<16xi1>, vector<16xf32>
      %swap3A_302 = arith.index_cast %scan3A_141 : i32 to index
      %swap3A_303 = arith.constant 224 : index
      %swap3A_304 = tpu.vector_load %arg8[%swap3A_302, %swap3A_303] {strides = array<i32>} : memref<100x256xf32, #tpu.memory_space<vmem>>, vector<1x16xf32>,
      %swap3A_305 = vector.shape_cast %swap3A_304 : vector<1x16xf32> to vector<16xf32>
      %swap3A_306 = vector.shape_cast %select_n3A_301 : vector<16xf32> to vector<1x16xf32>
      tpu.vector_store %arg8[%swap3A_302, %swap3A_303], %swap3A_306 {strides = array<i32>} : memref<100x256xf32, #tpu.memory_space<vmem>>, vector<1x16xf32>,
      %get3A_307 = arith.index_cast %scan3A_141 : i32 to index
      %get3A_308 = arith.constant 240 : index
      %get3A_309 = tpu.vector_load %arg6[%get3A_307, %get3A_308] {strides = array<i32>} : memref<100x256xf32, #tpu.memory_space<vmem>>, vector<1x16xf32>,
      %get3A_310 = vector.shape_cast %get3A_309 : vector<1x16xf32> to vector<16xf32>
      %ne3A_311 = arith.cmpf one, %get3A_310, %get3A_310 : vector<16xf32>
      %select_n3A_312 = arith.select %ne3A_311, %get3A_144, %get3A_310 : vector<16xi1>, vector<16xf32>
      %swap3A_313 = arith.index_cast %scan3A_141 : i32 to index
      %swap3A_314 = arith.constant 240 : index
      %swap3A_315 = tpu.vector_load %arg8[%swap3A_313, %swap3A_314] {strides = array<i32>} : memref<100x256xf32, #tpu.memory_space<vmem>>, vector<1x16xf32>,
      %swap3A_316 = vector.shape_cast %swap3A_315 : vector<1x16xf32> to vector<16xf32>
      %swap3A_317 = vector.shape_cast %select_n3A_312 : vector<16xf32> to vector<1x16xf32>
      tpu.vector_store %arg8[%swap3A_313, %swap3A_314], %swap3A_317 {strides = array<i32>} : memref<100x256xf32, #tpu.memory_space<vmem>>, vector<1x16xf32>,
    }
    %scan3A_119 = arith.constant 100 : i32
    %add3A_120 = arith.constant 7936 : i32
    %add3A_121 = arith.addi %mul3A_2, %add3A_120 : i32
    %multiple_of3A_122 = tpu.assume_multiple %add3A_121, 128 : i32
    %dma_start3A_123 = arith.constant 0 : i32
    %dma_start3A_124 = tpu.memref_slice %arg4[%dma_start3A_123, %multiple_of3A_122] : memref<100x262144xf32, #tpu.memory_space<hbm>> -> memref<100x256xf32, #tpu.memory_space<hbm>>
    %dma_start3A_125 = arith.constant 0 : i32
    %dma_start3A_126 = tpu.memref_slice %arg4[%dma_start3A_125, %multiple_of3A_122] : memref<100x262144xf32, #tpu.memory_space<hbm>> -> memref<100x256xf32, #tpu.memory_space<hbm>>
    tpu.enqueue_dma source(%arg8 : memref<100x256xf32, #tpu.memory_space<vmem>>) target(%dma_start3A_126 : memref<100x256xf32, #tpu.memory_space<hbm>>) target_semaphore(%arg13 : memref<!tpu.dma_semaphore, #tpu.memory_space<semaphore_mem>>)
    %add3A_127 = arith.constant 7680 : i32
    %add3A_128 = arith.addi %mul3A_2, %add3A_127 : i32
    %multiple_of3A_129 = tpu.assume_multiple %add3A_128, 128 : i32
    %dma_wait3A_130 = arith.constant 0 : i32
    %dma_wait3A_131 = tpu.memref_slice %arg4[%dma_wait3A_130, %multiple_of3A_129] : memref<100x262144xf32, #tpu.memory_space<hbm>> -> memref<100x256xf32, #tpu.memory_space<hbm>>
    %dma_wait3A_132 = arith.constant 0 : i32
    %dma_wait3A_133 = tpu.memref_slice %arg4[%dma_wait3A_132, %multiple_of3A_129] : memref<100x262144xf32, #tpu.memory_space<hbm>> -> memref<100x256xf32, #tpu.memory_space<hbm>>
    tpu.wait_dma2 semaphore(%arg12 : memref<!tpu.dma_semaphore, #tpu.memory_space<semaphore_mem>>) src(%arg7 : memref<100x256xf32, #tpu.memory_space<vmem>>) dst(%dma_wait3A_133 : memref<100x256xf32, #tpu.memory_space<hbm>>)
    %add3A_134 = arith.constant 7936 : i32
    %add3A_135 = arith.addi %mul3A_2, %add3A_134 : i32
    %multiple_of3A_136 = tpu.assume_multiple %add3A_135, 128 : i32
    %dma_wait3A_137 = arith.constant 0 : i32
    %dma_wait3A_138 = tpu.memref_slice %arg4[%dma_wait3A_137, %multiple_of3A_136] : memref<100x262144xf32, #tpu.memory_space<hbm>> -> memref<100x256xf32, #tpu.memory_space<hbm>>
    %dma_wait3A_139 = arith.constant 0 : i32
    %dma_wait3A_140 = tpu.memref_slice %arg4[%dma_wait3A_139, %multiple_of3A_136] : memref<100x262144xf32, #tpu.memory_space<hbm>> -> memref<100x256xf32, #tpu.memory_space<hbm>>
    tpu.wait_dma2 semaphore(%arg13 : memref<!tpu.dma_semaphore, #tpu.memory_space<semaphore_mem>>) src(%arg8 : memref<100x256xf32, #tpu.memory_space<vmem>>) dst(%dma_wait3A_140 : memref<100x256xf32, #tpu.memory_space<hbm>>)
    return
  }
}

</mosaic_0001>

<sc_bundles>
// kernel: _sc_fill.3.cloned.1.call-start
scs
__scs_entry_jumppad:
0x0: {  	(pc) =	sbr.rel $0x88, $3  }
0x1: {  	(tag) =	ssettag $0x0;
	lr =	simm.s32 $0x1  }
0x2: {  	[smem:$0x3F9F] =	sst lr;
	_ =	strace $0xD0000000  }
0x3: {  	_ = 	snop  }
0x4: {  	_ = 	snop  }
0x5: {  	_ = 	snop  }
0x6: {  	_ = 	snop  }
0x7: {  	_ = 	snop  }
__scs_overlays_trampoline_lowered:
0x8: {  	[smem:$0x3FAE] =	sst s0  }
0x9: {  	[smem:$0x3FAF] =	sst s1  }
0xa: {  	[smem:$0x3FB0] =	sst s2  }
0xb: {  	[smem:$0x3FB1] =	sst s3  }
0xc: {  	[smem:$0x3FB2] =	sst s4  }
0xd: {  	[smem:$0x3FB3] =	sst s5  }
0xe: {  	[smem:$0x3FB4] =	sst s6  }
0xf: {  	[smem:$0x3FB5] =	sst s7  }
0x10: {  	[smem:$0x3FB6] =	sst s8  }
0x11: {  	[smem:$0x3FB7] =	sst s9;
	s0 =	simm.s32 @!p0 $0x0  }
0x12: {  	s1 =	sld [smem:$0x3F9D];
	s0 =	simm.s32 @p0 $0x1  }
0x13: {  	[smem:$0x3FB8] =	sst s0;
	s0 =	simm.s32 @!p1 $0x0  }
0x14: {  	s2 =	sld [smem:$0x3F9C];
	s0 =	simm.s32 @p1 $0x1  }
0x15: {  	[smem:$0x3FB9] =	sst s0;
	s0 =	simm.s32 @!p2 $0x0  }
0x16: {  	s3 =	sld [smem:$0x3FDB];
	s0 =	simm.s32 @p2 $0x1  }
0x17: {  	s4 =	simm.s32 $0x1BF5;
	[smem:$0x3FBB] =	sst s0  }
0x18: {  	s0 =	sld [smem:$0x3F9E];
	_ =	swait.ge [sflag:s4], $0x0  }
0x19: {  	s7 =	sld [smem:$0x3F9F]  }
0x1a: {  	s8 =	sadd.s32 $0xFFFFE003, lr  }
0x1b: {  	s9 =	sadd.s32 $0xFFFFFEF7, lr;
	s5 =	simm.s32 $0xFFFFFFFF;
	p2 =	slt.u32 s8, $0xFFFFF086  }
0x1c: {  	p1 =	slt.u32 s9, $0xF7A;
	s5 =	simm.s32 @!p2 $0x0  }
0x1d: {  	s5 =	simm.s32 @p1 $0x1;
	p0 =	seq.s32 s7, s2  }
0x1e: {  	s7 =	smul.u32 @!p0 $0xF7A, s2;
	p2 =	seq.s32 @!p0 s5, $0x0  }
0x1f: {  	s9 =	smul.u32 $0xF7A, s1;
	s8 =	simm.s32 @!p0 $0x1BF5;
	p2 =	por !p2, p0  }
0x20: {  	[sflag:s8] =	ssyncset.s32 @!p0 $0xFFFFF086;
	s6 =	sadd.s32 @!p0 s3, s7;
	s7 =	simm.s32 @!p0 $0x108  }
0x21: {  	s3 =	sadd.s32 s3, s9;
	s6 =	sadd.s32 @!p0 $0x88, s6;
	s7 =	simm.s32 @p2 $0x1082  }
0x22: {  	[simem:s7], [sflag:s8] =	dma.local @!p0 [hbm:s6], $0xF7A  }
0x23: {  	s9 =	sor.u32 $0xD0000000, s2;
	s6 =	simm.s32 $0x108;
	_ =	swait.ge @!p0 [sflag:s8], $0x0  }
0x24: {  	s3 =	sadd.s32 $0x88, s3;
	s6 =	simm.s32 @!p1 $0x1082;
	[sflag:s4] =	ssyncset.s32 $0xFFFFF086  }
0x25: {  	[simem:s6], [sflag:s4] =	dma.local [hbm:s3], $0xF7A  }
0x26: {  	[smem:$0x3F9F] =	sst s1;
	(tag) =	ssettag s2;
	_ =	strace s9  }
0x27: {  	s1 =	sld [smem:$0x3FAF]  }
0x28: {  	s2 =	sld [smem:$0x3FB0]  }
0x29: {  	s4 =	sld [smem:$0x3FB2]  }
0x2a: {  	p0 =	seq.s32 s5, $0x0;
	s5 =	sld [smem:$0x3FB3]  }
0x2b: {  	s6 =	sld [smem:$0x3FB4]  }
0x2c: {  	s7 =	sld [smem:$0x3FB5]  }
0x2d: {  	s3 =	simm.s32 $0x108;
	s8 =	sld [smem:$0x3FB6]  }
0x2e: {  	s3 =	simm.s32 @!p0 $0x1082;
	s9 =	sld [smem:$0x3FB7]  }
0x2f: {  	lr =	sadd.s32 s0, s3;
	s0 =	sld [smem:$0x3FAE]  }
0x30: {  	s3 =	sld [smem:$0x3FB1]  }
0x31: {  	[smem:$0x3FBA] =	sst s10  }
0x32: {  	s10 =	sld [smem:$0x3FB8];
	_ =	sdelay $0x3  }
0x33: {  	p0 =	seq.s32 s10, $0x1;
	s10 =	sld [smem:$0x3FBA];
	_ =	sdelay $0x3  }
0x34: {  	[smem:$0x3FBA] =	sst s10  }
0x35: {  	s10 =	sld [smem:$0x3FB9];
	_ =	sdelay $0x3  }
0x36: {  	p1 =	seq.s32 s10, $0x1;
	s10 =	sld [smem:$0x3FBA];
	_ =	sdelay $0x3  }
0x37: {  	[smem:$0x3FBA] =	sst s10  }
0x38: {  	s10 =	sld [smem:$0x3FBB]  }
0x39: {  	_ = 	snop;
	(pc) =	sbr.ind lr, $3  }
0x3a: {  	_ = 	snop  }
0x3b: {  	_ = 	snop  }
0x3c: {  	p2 =	seq.s32 s10, $0x1;
	s10 =	sld [smem:$0x3FBA]  }
0x3d: {  	_ =	shalt  }
0x3e: {  	_ =	shalt  }
0x3f: {  	_ =	shalt  }
0x40: {  	_ =	shalt  }
0x41: {  	_ =	shalt  }
0x42: {  	_ =	shalt  }
0x43: {  	_ =	shalt  }
0x44: {  	_ =	shalt  }
0x45: {  	_ =	shalt  }
0x46: {  	_ =	shalt  }
0x47: {  	_ =	shalt  }
0x48: {  	_ =	shalt  }
0x49: {  	_ =	shalt  }
0x4a: {  	_ =	shalt  }
0x4b: {  	_ =	shalt  }
0x4c: {  	_ =	shalt  }
0x4d: {  	_ =	shalt  }
0x4e: {  	_ =	shalt  }
0x4f: {  	_ =	shalt  }
0x50: {  	_ =	shalt  }
0x51: {  	_ =	shalt  }
0x52: {  	_ =	shalt  }
0x53: {  	_ =	shalt  }
0x54: {  	_ =	shalt  }
0x55: {  	_ =	shalt  }
0x56: {  	_ =	shalt  }
0x57: {  	_ =	shalt  }
0x58: {  	_ =	shalt  }
0x59: {  	_ =	shalt  }
0x5a: {  	_ =	shalt  }
0x5b: {  	_ =	shalt  }
0x5c: {  	_ =	shalt  }
0x5d: {  	_ =	shalt  }
0x5e: {  	_ =	shalt  }
0x5f: {  	_ =	shalt  }
0x60: {  	_ =	shalt  }
0x61: {  	_ =	shalt  }
0x62: {  	_ =	shalt  }
0x63: {  	_ =	shalt  }
0x64: {  	_ =	shalt  }
0x65: {  	_ =	shalt  }
0x66: {  	_ =	shalt  }
0x67: {  	_ =	shalt  }
0x68: {  	_ =	shalt  }
0x69: {  	_ =	shalt  }
0x6a: {  	_ =	shalt  }
0x6b: {  	_ =	shalt  }
0x6c: {  	_ =	shalt  }
0x6d: {  	_ =	shalt  }
0x6e: {  	_ =	shalt  }
0x6f: {  	_ =	shalt  }
0x70: {  	_ =	shalt  }
0x71: {  	_ =	shalt  }
0x72: {  	_ =	shalt  }
0x73: {  	_ =	shalt  }
0x74: {  	_ =	shalt  }
0x75: {  	_ =	shalt  }
0x76: {  	_ =	shalt  }
0x77: {  	_ =	shalt  }
0x78: {  	_ =	shalt  }
0x79: {  	_ =	shalt  }
0x7a: {  	_ =	shalt  }
0x7b: {  	_ =	shalt  }
0x7c: {  	_ =	shalt  }
0x7d: {  	_ =	shalt  }
0x7e: {  	_ =	shalt  }
0x7f: {  	_ =	shalt  }
0x80: {  	_ =	shalt  }
0x81: {  	_ =	shalt  }
0x82: {  	_ =	shalt  }
0x83: {  	_ =	shalt  }
0x84: {  	_ =	shalt  }
0x85: {  	_ =	shalt  }
0x86: {  	_ =	shalt  }
0x87: {  	_ =	shalt  }
.Lfunc_end0:
.L_simem_size_0:
called_computation_lowered:
.L_overlay_start_0:
0x88: {  	s2 =	sld [smem:$0x3FD9]  }
0x89: {  	s3 =	sld [smem:$0x3FFE];
	_ =	sdelay $0x1  }
0x8a: {  	s1 =	srdreg.scid  }
0x8b: {  	s0 =	sand.u32 $0x1, s1  }
0x8c: {  	s17 =	sshll.u32 s0, $0xA;
	s2 =	sadd.s32 s3, s2  }
0x8d: {  	s2 =	sadd.s32 s2, s17  }
0x8e: {  	[smem:$0x3FC6] =	sst s2  }
0x8f: {  	_ = 	snop  }
0x90: {  	s2 =	sld [smem:$0x3FC9]  }
0x91: {  	s18 =	sld [smem:$0x3FD0];
	(tm) =	ssettm $0x1  }
0x92: {  	s4 =	sld [smem:$0x3FFB];
	_ =	sdelay $0x3  }
0x93: {  	_ =	strace s4  }
0x94: {  	s4 =	sld [smem:$0x3FFC];
	_ =	sdelay $0x3  }
0x95: {  	_ =	strace s4  }
0x96: {  	s4 =	sld [smem:$0x3FFD];
	_ =	sdelay $0x3  }
0x97: {  	_ =	strace s4  }
0x98: {  	_ =	strace $0x8FFFFFFF  }
0x99: {  	s19 =	sld [smem:$0x3FDB];
	_ =	sdelay $0x1  }
0x9a: {  	s5 =	simm.s32 $_scs_section_size  }
0x9b: {  	s6 =	simm.s32 $_size__tile_overlayer_lowered;
	s7 =	simm.s32 $_tile_overlayer_lowered  }
0x9c: {  	s22 =	simm.s32 $0x1BFF;
	s21 =	sshll.u32 s7, $0x1;
	s4 =	sadd.s32 s5, s19  }
0x9d: {  	s8 =	simm.s32 $0x0;
	s20 =	sshll.u32 s6, $0x1;
	s6 =	sadd.s32 s21, s4  }
0x9e: {  	[timem:s8], [sflag:s22] =	dma.local [hbm:s6], s20  }
0x9f: {  	_ =	swait.ge [sflag:s22], s20  }
0xa0: {  	s5 =	ssub.s32 $0x0, s20;
	[sflag:s22] =	ssyncset.done $0x0  }
0xa1: {  	[sflag:s22] =	ssyncadd.s32 s5;
	_ =	sdelay $0x1  }
0xa2: {  	s23 =	simm.s32 $0x1B8B  }
0xa3: {  	_ =	swait.ge [sflag:s23], $0x1  }
0xa4: {  	[sflag:s23] =	ssyncset.done $0x0  }
0xa5: {  	s25 =	simm.s32 $0x1B8E;
	s24 =	sld [smem:$0x3FFE];
	[sflag:s23] =	ssyncadd.s32 $0xFFFFFFFF  }
0xa6: {  	s26 =	simm.s32 $execute0_lowered;
	[smem:$0x3FD2] =	sst s25  }
0xa7: {  	s6 =	sshll.u32 s26, $0x1;
	_ =	strace $0x80000046;
	[dreg:$0x1] =	wrdreg $0xFFFFFFFF  }
0xa8: {  	s28 =	simm.s32 $_size_execute0_lowered;
	s4 =	sadd.s32 s4, s6;
	[dreg:$0x0] =	wrdreg $0x0  }
0xa9: {  	s6 =	sshll.u32 s28, $0x1;
	[dreg:$0x2] =	wrdreg s4  }
0xaa: {  	[dreg:$0x3] =	wrdreg s6  }
0xab: {  	[dreg:$0x4] =	wrdreg $0xC0  }
0xac: {  	_ =	task [dreg:s8], $0x5FFFF  }
0xad: {  	[dreg:$0x1] =	wrdreg $0xFFFFFFFF  }
0xae: {  	[dreg:$0x0] =	wrdreg $0x60  }
0xaf: {  	[dreg:$0x2] =	wrdreg s2  }
0xb0: {  	[dreg:$0x3] =	wrdreg s24  }
0xb1: {  	[dreg:$0x4] =	wrdreg s18  }
0xb2: {  	[dreg:$0x5] =	wrdreg $0x9  }
0xb3: {  	_ =	task.clear_ibuf [dreg:s8], $0x6FFFF;
	_ =	strace $0x90000046  }
0xb4: {  	s29 =	simm.s32 $0x9;
	_ =	strace $0x80000048  }
0xb5: {  	_ =	swait.ge [sflag:s29], $0x1  }
0xb6: {  	[sflag:s29] =	ssyncadd.s32 $0xFFFFFFFF  }
0xb7: {  	_ =	strace $0x90000048  }
0xb8: {  	_ =	sfence  }
0xb9: {  	s30 =	sld [smem:$0x0];
	_ =	sdelay $0x2  }
0xba: {  	s31 =	sshll.u32 s1, $0xD;
	s1 =	sshrl.u32 s1, $0x2  }
0xbb: {  	s3 =	sand.u32 $0x4000, s31;
	s1 =	sadd.s32 s1, s30  }
0xbc: {  	s0 =	sor.u32 s3, s0;
	s1 =	sshll.u32 s1, $0x11  }
0xbd: {  	s0 =	sor.u32 s1, s0  }
0xbe: {  	s0 =	sadd.s32 $0x8F2B, s0  }
0xbf: {  	[sflag:s0] =	ssyncadd.remote.s32 $0x1  }
0xc0: {  	_ =	sfence.sel $0xFFFF  }
0xc1: {  	[dreg:$0x0] =	wrdreg $0xFFFFFFFF;
	(pc) =	sbr.abs _section_cstart, $3  }
0xc2: {  	[dreg:$0x1] =	wrdreg $0xFFFFFFFF  }
0xc3: {  	_ =	task.clear_ibuf [dreg:s8], $0x2FFFF;
	_ =	strace $0x9FFFFFFF  }
0xc4: {  	(tm) =	ssettm $0x7FFFFFFF  }
0xc5: {  	_ =	shalt  }
tec
execute0_lowered:
.L_overlay_start_1:
0x0: {  	(tag) =	ssettag $0x1  }
0x1: {  	s0 =	rddreg [dreg:$0x0]  }
0x2: {  	s1 =	rddreg [dreg:$0x1]  }
0x3: {  	s8 =	rddreg [dreg:$0x2];
	s2 =	simm.s32 $0x0;
	s3 =	srdreg.scid  }
0x4: {  	s5 =	stileid.u32;
	s13 =	simm.s32 $0x1A000;
	s14 =	simm.s32 $0x5  }
0x5: {  	s15 =	simm.s32 $0x800;
	s16 =	simm.s32 $0x200000;
	s17 =	simm.s32 $0x6800  }
0x6: {  	s18 =	simm.s32 $0x1;
	s19 =	simm.s32 $0xD000;
	s20 =	simm.s32 $0x2  }
0x7: {  	s21 =	simm.s32 $0x13800;
	s22 =	simm.s32 $0x3;
	s23 =	simm.s32 $0x4  }
0x8: {  	s24 =	simm.s32 $0x0;
	[smem:$0x7FF] =	sst s2;
	s3 =	sand.u32 $0x1, s3  }
0x9: {  	s5 =	sshll.u32 s5, $0xE;
	s4 =	ssub.s32 $0x2, s3;
	s3 =	sshll.u32 s3, $0xD  }
0xa: {  	_ =	strace $0x80000047;
	s6 =	sshrl.u32 s4, $0x1;
	s7 =	sor.u32 s3, s5  }
0xb: {  	s3 =	sadd.s32 $0x400, s1;
	s31 =	ssub.s32 s4, s6;
	s9 =	sor.u32 $0x100, s7  }
0xc: {  	s4 =	sadd.s32 s0, s7;
	s6 =	sadd.s32 s8, s7;
	s5 =	sadd.s32 s0, s9  }
0xd: {  	s7 =	sadd.s32 $0x200, s4;
	s8 =	sadd.s32 s8, s9;
	s9 =	sadd.s32 $0x300, s4  }
0xe: {  	s10 =	sadd.s32 $0x1E00, s6;
	s11 =	sadd.s32 $0x1F00, s6;
	s12 =	smax.u32 s31, $0x1  }
.LBB2_1:
0xf: {  	[tilespmem:s13], [sflag:$0x5] =	stream.linear.gather [hbm4b:s3+s2], $0x3200, $0x38;
	[tilespmem:$0x1D400] =	vst v63  }
0x10: {  	_ =	swait.ge [sflag:s14], $0x3200  }
0x11: {  	[sflag:s14] =	ssyncset.done $0x0  }
0x12: {  	[sflag:s14] =	ssyncadd.s32 $0xFFFFCE00  }
0x13: {  	[tilespmem:s2], [sflag:$0x1] =	stream.strided.gather [hbm4b:s4+s15], $0x6800, s16, s15, $0x38;
	[tilespmem:$0x1D400] =	vst v63  }
0x14: {  	_ = 	snop  }
0x15: {  	[tilespmem:s17], [sflag:$0x2] =	stream.strided.gather [hbm4b:s5+s15], $0x6800, s16, s15, $0x38;
	[tilespmem:$0x1D400] =	vst v63  }
0x16: {  	_ =	swait.ge [sflag:s18], $0x6800  }
0x17: {  	s0 =	sand.u32 $0x7800, s2;
	s1 =	sand.u32 $0x380, s2;
	[sflag:s18] =	ssyncset.done $0x0  }
0x18: {  	s25 =	sor.u32 s1, s0;
	[sflag:s18] =	ssyncadd.s32 $0xFFFF9800  }
0x19: {  	v0 =	vld [tilespmem:s25+$0x470]  }
0x1a: {  	v1 =	vld [tilespmem:s25+$0x0]  }
0x1b: {  	v2 =	vld [tilespmem:s25+$0x10]  }
0x1c: {  	v3 =	vld [tilespmem:s25+$0x20]  }
0x1d: {  	v4 =	vld [tilespmem:s25+$0x30]  }
0x1e: {  	v5 =	vld [tilespmem:s25+$0x40];
	[tilespmem:s25+$0xD470] =	vst v0  }
0x1f: {  	[tilespmem:s25+$0xD000] =	vst v1;
	v0 =	vld [tilespmem:s25+$0x50]  }
0x20: {  	[tilespmem:s25+$0xD010] =	vst v2;
	v1 =	vld [tilespmem:s25+$0x60]  }
0x21: {  	[tilespmem:s25+$0xD020] =	vst v3;
	v2 =	vld [tilespmem:s25+$0x70]  }
0x22: {  	[tilespmem:s25+$0xD030] =	vst v4;
	v4 =	vld [tilespmem:s25+$0x400]  }
0x23: {  	[tilespmem:s25+$0xD040] =	vst v5;
	v3 =	vld [tilespmem:s25+$0x410]  }
0x24: {  	[tilespmem:s25+$0xD050] =	vst v0;
	v0 =	vld [tilespmem:s25+$0x420]  }
0x25: {  	[tilespmem:s25+$0xD060] =	vst v1;
	v1 =	vld [tilespmem:s25+$0x430]  }
0x26: {  	s31 =	simm.s32 $0x100;
	s26 =	simm.s32 $0x80;
	[tilespmem:s25+$0xD070] =	vst v2;
	v2 =	vld [tilespmem:s25+$0x440]  }
0x27: {  	s28 =	simm.s32 $0x200;
	s29 =	sand.u32 $0x7800, s31;
	s0 =	sand.u32 $0x380, s26;
	[tilespmem:s25+$0xD400] =	vst v4;
	v4 =	vld [tilespmem:s25+$0x450]  }
.LBB2_2:
0x28: {  	p0 =	sne.s32 s28, $0x6300;
	s0 =	sor.u32 s0, s29;
	[tilespmem:s25+$0xD410] =	vst v3;
	v3 =	vld [tilespmem:s25+$0x460]  }
0x29: {  	v5 =	vld [tilespmem:s0+$0x470];
	[tilespmem:s25+$0xD420] =	vst v0  }
0x2a: {  	v0 =	vld [tilespmem:s0+$0x0];
	[tilespmem:s25+$0xD430] =	vst v1  }
0x2b: {  	v1 =	vld [tilespmem:s0+$0x10];
	[tilespmem:s25+$0xD440] =	vst v2  }
0x2c: {  	v2 =	vld [tilespmem:s0+$0x20];
	[tilespmem:s25+$0xD450] =	vst v4  }
0x2d: {  	v4 =	vld [tilespmem:s0+$0x30];
	[tilespmem:s25+$0xD460] =	vst v3;
	s25 =	smov.u32 s0  }
0x2e: {  	v3 =	vld [tilespmem:s25+$0x40];
	[tilespmem:s25+$0xD470] =	vst v5  }
0x2f: {  	[tilespmem:s25+$0xD000] =	vst v0;
	v0 =	vld [tilespmem:s25+$0x50]  }
0x30: {  	[tilespmem:s25+$0xD010] =	vst v1;
	v1 =	vld [tilespmem:s25+$0x60]  }
0x31: {  	[tilespmem:s25+$0xD020] =	vst v2;
	v2 =	vld [tilespmem:s25+$0x70]  }
0x32: {  	[tilespmem:s25+$0xD030] =	vst v4;
	v4 =	vld [tilespmem:s25+$0x400]  }
.Ltmp0:
0x33: {  	[tilespmem:s25+$0xD040] =	vst v3;
	v3 =	vld [tilespmem:s25+$0x410];
	(pc) =	sbr.rel @p0 .LBB2_2-.Ltmp0, $4  }
0x34: {  	[tilespmem:s25+$0xD050] =	vst v0;
	v0 =	vld [tilespmem:s25+$0x420]  }
0x35: {  	[tilespmem:s25+$0xD060] =	vst v1;
	v1 =	vld [tilespmem:s25+$0x430]  }
0x36: {  	s26 =	sadd.s32 $0x80, s26;
	[tilespmem:s25+$0xD070] =	vst v2;
	v2 =	vld [tilespmem:s25+$0x440]  }
0x37: {  	s29 =	sand.u32 $0x7800, s28;
	s28 =	sadd.s32 $0x100, s28;
	s0 =	sand.u32 $0x380, s26;
	[tilespmem:s25+$0xD400] =	vst v4;
	v4 =	vld [tilespmem:s25+$0x450]  }
0x38: {  	[tilespmem:s25+$0xD410] =	vst v3;
	s0 =	sor.u32 s0, s29;
	v3 =	vld [tilespmem:s25+$0x460]  }
0x39: {  	v5 =	vld [tilespmem:s0+$0x470];
	[tilespmem:s25+$0xD420] =	vst v0  }
0x3a: {  	v0 =	vld [tilespmem:s0+$0x0];
	[tilespmem:s25+$0xD430] =	vst v1  }
0x3b: {  	v1 =	vld [tilespmem:s0+$0x10];
	[tilespmem:s25+$0xD440] =	vst v2  }
0x3c: {  	v2 =	vld [tilespmem:s0+$0x20];
	[tilespmem:s25+$0xD450] =	vst v4  }
0x3d: {  	v4 =	vld [tilespmem:s0+$0x30];
	[tilespmem:s25+$0xD460] =	vst v3  }
0x3e: {  	v3 =	vld [tilespmem:s0+$0x40];
	[tilespmem:s0+$0xD470] =	vst v5  }
0x3f: {  	[tilespmem:s0+$0xD000] =	vst v0;
	v0 =	vld [tilespmem:s0+$0x50]  }
0x40: {  	[tilespmem:s0+$0xD010] =	vst v1;
	v1 =	vld [tilespmem:s0+$0x60]  }
0x41: {  	[tilespmem:s0+$0xD020] =	vst v2;
	v2 =	vld [tilespmem:s0+$0x70]  }
0x42: {  	[tilespmem:s0+$0xD030] =	vst v4;
	v4 =	vld [tilespmem:s0+$0x400]  }
0x43: {  	[tilespmem:s0+$0xD040] =	vst v3;
	v3 =	vld [tilespmem:s0+$0x410]  }
0x44: {  	[tilespmem:s0+$0xD050] =	vst v0;
	v0 =	vld [tilespmem:s0+$0x420]  }
0x45: {  	[tilespmem:s0+$0xD060] =	vst v1;
	v1 =	vld [tilespmem:s0+$0x430]  }
0x46: {  	[tilespmem:s0+$0xD070] =	vst v2;
	v2 =	vld [tilespmem:s0+$0x440]  }
0x47: {  	[tilespmem:s0+$0xD400] =	vst v4;
	v4 =	vld [tilespmem:s0+$0x450]  }
0x48: {  	[tilespmem:s0+$0xD410] =	vst v3;
	v3 =	vld [tilespmem:s0+$0x460]  }
0x49: {  	[tilespmem:s0+$0xD420] =	vst v0  }
0x4a: {  	[tilespmem:s0+$0xD430] =	vst v1  }
0x4b: {  	[tilespmem:s0+$0xD440] =	vst v2  }
0x4c: {  	[tilespmem:s0+$0xD450] =	vst v4  }
0x4d: {  	[tilespmem:s0+$0xD460] =	vst v3  }
0x4e: {  	[hbm4b:s6+s15] =	stream.strided.scatter [tilespmem:s19], [sflag:$0x3], $0x6800, s16, s15, $0x38;
	[tilespmem:$0x1D400] =	vst v63  }
0x4f: {  	s30 =	simm.s32 $0x0  }
0x50: {  	[tilespmem:s30], [sflag:$0x1] =	stream.strided.gather [hbm4b:s7+s15], $0x6800, s16, s15, $0x38;
	[tilespmem:$0x1D400] =	vst v63  }
0x51: {  	_ =	swait.ge [sflag:s20], $0x6800  }
0x52: {  	s1 =	sand.u32 $0x7800, s30;
	s0 =	sand.u32 $0x380, s30;
	[sflag:s20] =	ssyncset.done $0x0  }
0x53: {  	s25 =	sor.u32 s0, s1;
	[sflag:s20] =	ssyncadd.s32 $0xFFFF9800  }
0x54: {  	v0 =	vld [tilespmem:s25+$0x6C70]  }
0x55: {  	v1 =	vld [tilespmem:s25+$0x6800]  }
0x56: {  	v2 =	vld [tilespmem:s25+$0x6810]  }
0x57: {  	v3 =	vld [tilespmem:s25+$0x6820]  }
0x58: {  	v4 =	vld [tilespmem:s25+$0x6830]  }
0x59: {  	v5 =	vld [tilespmem:s25+$0x6840];
	[tilespmem:s25+$0x13C70] =	vst v0  }
0x5a: {  	[tilespmem:s25+$0x13800] =	vst v1;
	v0 =	vld [tilespmem:s25+$0x6850]  }
0x5b: {  	[tilespmem:s25+$0x13810] =	vst v2;
	v1 =	vld [tilespmem:s25+$0x6860]  }
0x5c: {  	[tilespmem:s25+$0x13820] =	vst v3;
	v2 =	vld [tilespmem:s25+$0x6870]  }
0x5d: {  	[tilespmem:s25+$0x13830] =	vst v4;
	v4 =	vld [tilespmem:s25+$0x6C00]  }
0x5e: {  	[tilespmem:s25+$0x13840] =	vst v5;
	v3 =	vld [tilespmem:s25+$0x6C10]  }
0x5f: {  	[tilespmem:s25+$0x13850] =	vst v0;
	v0 =	vld [tilespmem:s25+$0x6C20]  }
0x60: {  	[tilespmem:s25+$0x13860] =	vst v1;
	v1 =	vld [tilespmem:s25+$0x6C30]  }
0x61: {  	s31 =	simm.s32 $0x100;
	s26 =	simm.s32 $0x80;
	[tilespmem:s25+$0x13870] =	vst v2;
	v2 =	vld [tilespmem:s25+$0x6C40]  }
0x62: {  	s28 =	simm.s32 $0x200;
	s29 =	sand.u32 $0x7800, s31;
	s0 =	sand.u32 $0x380, s26;
	[tilespmem:s25+$0x13C00] =	vst v4;
	v4 =	vld [tilespmem:s25+$0x6C50]  }
.LBB2_4:
0x63: {  	p0 =	sne.s32 s28, $0x6300;
	s0 =	sor.u32 s0, s29;
	[tilespmem:s25+$0x13C10] =	vst v3;
	v3 =	vld [tilespmem:s25+$0x6C60]  }
0x64: {  	v5 =	vld [tilespmem:s0+$0x6C70];
	[tilespmem:s25+$0x13C20] =	vst v0  }
0x65: {  	v0 =	vld [tilespmem:s0+$0x6800];
	[tilespmem:s25+$0x13C30] =	vst v1  }
0x66: {  	v1 =	vld [tilespmem:s0+$0x6810];
	[tilespmem:s25+$0x13C40] =	vst v2  }
0x67: {  	v2 =	vld [tilespmem:s0+$0x6820];
	[tilespmem:s25+$0x13C50] =	vst v4  }
0x68: {  	v4 =	vld [tilespmem:s0+$0x6830];
	[tilespmem:s25+$0x13C60] =	vst v3;
	s25 =	smov.u32 s0  }
0x69: {  	v3 =	vld [tilespmem:s25+$0x6840];
	[tilespmem:s25+$0x13C70] =	vst v5  }
0x6a: {  	[tilespmem:s25+$0x13800] =	vst v0;
	v0 =	vld [tilespmem:s25+$0x6850]  }
0x6b: {  	[tilespmem:s25+$0x13810] =	vst v1;
	v1 =	vld [tilespmem:s25+$0x6860]  }
0x6c: {  	[tilespmem:s25+$0x13820] =	vst v2;
	v2 =	vld [tilespmem:s25+$0x6870]  }
0x6d: {  	[tilespmem:s25+$0x13830] =	vst v4;
	v4 =	vld [tilespmem:s25+$0x6C00]  }
.Ltmp1:
0x6e: {  	[tilespmem:s25+$0x13840] =	vst v3;
	v3 =	vld [tilespmem:s25+$0x6C10];
	(pc) =	sbr.rel @p0 .LBB2_4-.Ltmp1, $4  }
0x6f: {  	[tilespmem:s25+$0x13850] =	vst v0;
	v0 =	vld [tilespmem:s25+$0x6C20]  }
0x70: {  	[tilespmem:s25+$0x13860] =	vst v1;
	v1 =	vld [tilespmem:s25+$0x6C30]  }
0x71: {  	s26 =	sadd.s32 $0x80, s26;
	[tilespmem:s25+$0x13870] =	vst v2;
	v2 =	vld [tilespmem:s25+$0x6C40]  }
0x72: {  	s29 =	sand.u32 $0x7800, s28;
	s28 =	sadd.s32 $0x100, s28;
	s0 =	sand.u32 $0x380, s26;
	[tilespmem:s25+$0x13C00] =	vst v4;
	v4 =	vld [tilespmem:s25+$0x6C50]  }
0x73: {  	[tilespmem:s25+$0x13C10] =	vst v3;
	s0 =	sor.u32 s0, s29;
	v53 =	vld [tilespmem:s25+$0x6C60]  }
0x74: {  	v5 =	vld [tilespmem:s0+$0x6C70];
	[tilespmem:s25+$0x13C20] =	vst v0  }
0x75: {  	v0 =	vld [tilespmem:s0+$0x6800];
	[tilespmem:s25+$0x13C30] =	vst v1  }
0x76: {  	v1 =	vld [tilespmem:s0+$0x6810];
	[tilespmem:s25+$0x13C40] =	vst v2  }
0x77: {  	v2 =	vld [tilespmem:s0+$0x6820];
	[tilespmem:s25+$0x13C50] =	vst v4  }
0x78: {  	v4 =	vld [tilespmem:s0+$0x6830];
	[tilespmem:s25+$0x13C60] =	vst v53  }
0x79: {  	v3 =	vld [tilespmem:s0+$0x6840];
	[tilespmem:s0+$0x13C70] =	vst v5  }
0x7a: {  	v54 =	vld [tilespmem:s0+$0x6850];
	[tilespmem:s0+$0x13800] =	vst v0  }
0x7b: {  	v55 =	vld [tilespmem:s0+$0x6860];
	[tilespmem:s0+$0x13810] =	vst v1  }
0x7c: {  	v56 =	vld [tilespmem:s0+$0x6870];
	[tilespmem:s0+$0x13820] =	vst v2  }
0x7d: {  	v57 =	vld [tilespmem:s0+$0x6C00];
	[tilespmem:s0+$0x13830] =	vst v4  }
0x7e: {  	v58 =	vld [tilespmem:s0+$0x6C10];
	[tilespmem:s0+$0x13840] =	vst v3  }
0x7f: {  	v59 =	vld [tilespmem:s0+$0x6C20];
	[tilespmem:s0+$0x13850] =	vst v54  }
0x80: {  	v60 =	vld [tilespmem:s0+$0x6C30];
	[tilespmem:s0+$0x13860] =	vst v55  }
0x81: {  	v61 =	vld [tilespmem:s0+$0x6C40];
	[tilespmem:s0+$0x13870] =	vst v56  }
0x82: {  	v62 =	vld [tilespmem:s0+$0x6C50];
	[tilespmem:s0+$0x13C00] =	vst v57  }
0x83: {  	v63 =	vld [tilespmem:s0+$0x6C60];
	[tilespmem:s0+$0x13C10] =	vst v58  }
0x84: {  	[tilespmem:s0+$0x13C20] =	vst v59  }
0x85: {  	[tilespmem:s0+$0x13C30] =	vst v60  }
0x86: {  	[tilespmem:s0+$0x13C40] =	vst v61  }
0x87: {  	[tilespmem:s0+$0x13C50] =	vst v62  }
0x88: {  	[tilespmem:s0+$0x13C60] =	vst v63  }
0x89: {  	[hbm4b:s8+s15] =	stream.strided.scatter [tilespmem:s21], [sflag:$0x4], $0x6800, s16, s15, $0x38;
	[tilespmem:$0x1D400] =	vst v63  }
0x8a: {  	s25 =	simm.s32 $0x1  }
0x8b: {  	[tilespmem:s17], [sflag:$0x2] =	stream.strided.gather [hbm4b:s9+s15], $0x6800, s16, s15, $0x38;
	[tilespmem:$0x1D400] =	vst v63  }
.LBB2_6:
0x8c: {  	_ =	swait.ge [sflag:s18], $0x6800  }
0x8d: {  	[sflag:s18] =	ssyncset.done $0x0  }
0x8e: {  	[sflag:s18] =	ssyncadd.s32 $0xFFFF9800  }
0x8f: {  	s0 =	simm.s32 $0x0;
	_ =	swait.ge [sflag:s22], $0x6800  }
0x90: {  	s1 =	sand.u32 $0x7800, s0;
	s0 =	sand.u32 $0x380, s0;
	[sflag:s22] =	ssyncset.done $0x0  }
0x91: {  	s26 =	sor.u32 s0, s1;
	[sflag:s22] =	ssyncadd.s32 $0xFFFF9800  }
0x92: {  	v0 =	vld [tilespmem:s26+$0x470]  }
0x93: {  	v1 =	vld [tilespmem:s26+$0x0]  }
0x94: {  	v2 =	vld [tilespmem:s26+$0x10]  }
0x95: {  	v3 =	vld [tilespmem:s26+$0x20]  }
0x96: {  	v4 =	vld [tilespmem:s26+$0x30]  }
0x97: {  	v5 =	vld [tilespmem:s26+$0x40];
	[tilespmem:s26+$0xD470] =	vst v0  }
0x98: {  	[tilespmem:s26+$0xD000] =	vst v1;
	v0 =	vld [tilespmem:s26+$0x50]  }
0x99: {  	[tilespmem:s26+$0xD010] =	vst v2;
	v1 =	vld [tilespmem:s26+$0x60]  }
0x9a: {  	[tilespmem:s26+$0xD020] =	vst v3;
	v2 =	vld [tilespmem:s26+$0x70]  }
0x9b: {  	[tilespmem:s26+$0xD030] =	vst v4;
	v4 =	vld [tilespmem:s26+$0x400]  }
0x9c: {  	[tilespmem:s26+$0xD040] =	vst v5;
	v3 =	vld [tilespmem:s26+$0x410]  }
0x9d: {  	[tilespmem:s26+$0xD050] =	vst v0;
	v0 =	vld [tilespmem:s26+$0x420]  }
0x9e: {  	[tilespmem:s26+$0xD060] =	vst v1;
	v1 =	vld [tilespmem:s26+$0x430]  }
0x9f: {  	s31 =	simm.s32 $0x100;
	s28 =	simm.s32 $0x80;
	[tilespmem:s26+$0xD070] =	vst v2;
	v2 =	vld [tilespmem:s26+$0x440]  }
0xa0: {  	s29 =	simm.s32 $0x200;
	s30 =	sand.u32 $0x7800, s31;
	s0 =	sand.u32 $0x380, s28;
	[tilespmem:s26+$0xD400] =	vst v4;
	v4 =	vld [tilespmem:s26+$0x450]  }
.LBB2_7:
0xa1: {  	p0 =	sne.s32 s29, $0x6300;
	s0 =	sor.u32 s0, s30;
	[tilespmem:s26+$0xD410] =	vst v3;
	v3 =	vld [tilespmem:s26+$0x460]  }
0xa2: {  	v5 =	vld [tilespmem:s0+$0x470];
	[tilespmem:s26+$0xD420] =	vst v0  }
0xa3: {  	v0 =	vld [tilespmem:s0+$0x0];
	[tilespmem:s26+$0xD430] =	vst v1  }
0xa4: {  	v1 =	vld [tilespmem:s0+$0x10];
	[tilespmem:s26+$0xD440] =	vst v2  }
0xa5: {  	v2 =	vld [tilespmem:s0+$0x20];
	[tilespmem:s26+$0xD450] =	vst v4  }
0xa6: {  	v4 =	vld [tilespmem:s0+$0x30];
	[tilespmem:s26+$0xD460] =	vst v3;
	s26 =	smov.u32 s0  }
0xa7: {  	v3 =	vld [tilespmem:s26+$0x40];
	[tilespmem:s26+$0xD470] =	vst v5  }
0xa8: {  	[tilespmem:s26+$0xD000] =	vst v0;
	v0 =	vld [tilespmem:s26+$0x50]  }
0xa9: {  	[tilespmem:s26+$0xD010] =	vst v1;
	v1 =	vld [tilespmem:s26+$0x60]  }
0xaa: {  	[tilespmem:s26+$0xD020] =	vst v2;
	v2 =	vld [tilespmem:s26+$0x70]  }
0xab: {  	[tilespmem:s26+$0xD030] =	vst v4;
	v4 =	vld [tilespmem:s26+$0x400]  }
.Ltmp2:
0xac: {  	[tilespmem:s26+$0xD040] =	vst v3;
	v3 =	vld [tilespmem:s26+$0x410];
	(pc) =	sbr.rel @p0 .LBB2_7-.Ltmp2, $4  }
0xad: {  	[tilespmem:s26+$0xD050] =	vst v0;
	v0 =	vld [tilespmem:s26+$0x420]  }
0xae: {  	[tilespmem:s26+$0xD060] =	vst v1;
	v1 =	vld [tilespmem:s26+$0x430]  }
0xaf: {  	s28 =	sadd.s32 $0x80, s28;
	[tilespmem:s26+$0xD070] =	vst v2;
	v2 =	vld [tilespmem:s26+$0x440]  }
0xb0: {  	s30 =	sand.u32 $0x7800, s29;
	s29 =	sadd.s32 $0x100, s29;
	s0 =	sand.u32 $0x380, s28;
	[tilespmem:s26+$0xD400] =	vst v4;
	v4 =	vld [tilespmem:s26+$0x450]  }
0xb1: {  	[tilespmem:s26+$0xD410] =	vst v3;
	s0 =	sor.u32 s0, s30;
	v3 =	vld [tilespmem:s26+$0x460]  }
0xb2: {  	v5 =	vld [tilespmem:s0+$0x470];
	[tilespmem:s26+$0xD420] =	vst v0  }
0xb3: {  	v0 =	vld [tilespmem:s0+$0x0];
	[tilespmem:s26+$0xD430] =	vst v1  }
0xb4: {  	v1 =	vld [tilespmem:s0+$0x10];
	[tilespmem:s26+$0xD440] =	vst v2  }
0xb5: {  	v2 =	vld [tilespmem:s0+$0x20];
	[tilespmem:s26+$0xD450] =	vst v4  }
0xb6: {  	v4 =	vld [tilespmem:s0+$0x30];
	[tilespmem:s26+$0xD460] =	vst v3  }
0xb7: {  	v3 =	vld [tilespmem:s0+$0x40];
	[tilespmem:s0+$0xD470] =	vst v5  }
0xb8: {  	[tilespmem:s0+$0xD000] =	vst v0;
	v0 =	vld [tilespmem:s0+$0x50]  }
0xb9: {  	[tilespmem:s0+$0xD010] =	vst v1;
	v1 =	vld [tilespmem:s0+$0x60]  }
0xba: {  	[tilespmem:s0+$0xD020] =	vst v2;
	v2 =	vld [tilespmem:s0+$0x70]  }
0xbb: {  	[tilespmem:s0+$0xD030] =	vst v4;
	v4 =	vld [tilespmem:s0+$0x400]  }
0xbc: {  	[tilespmem:s0+$0xD040] =	vst v3;
	v3 =	vld [tilespmem:s0+$0x410]  }
0xbd: {  	[tilespmem:s0+$0xD050] =	vst v0;
	v0 =	vld [tilespmem:s0+$0x420]  }
0xbe: {  	[tilespmem:s0+$0xD060] =	vst v1;
	v1 =	vld [tilespmem:s0+$0x430]  }
0xbf: {  	[tilespmem:s0+$0xD070] =	vst v2;
	v2 =	vld [tilespmem:s0+$0x440]  }
0xc0: {  	[tilespmem:s0+$0xD400] =	vst v4;
	v4 =	vld [tilespmem:s0+$0x450]  }
0xc1: {  	[tilespmem:s0+$0xD410] =	vst v3;
	v3 =	vld [tilespmem:s0+$0x460]  }
0xc2: {  	[tilespmem:s0+$0xD420] =	vst v0  }
0xc3: {  	[tilespmem:s0+$0xD430] =	vst v1  }
0xc4: {  	[tilespmem:s0+$0xD440] =	vst v2  }
0xc5: {  	s26 =	sshll.u32 s25, $0x9;
	[tilespmem:s0+$0xD450] =	vst v4  }
0xc6: {  	s28 =	sadd.s32 s26, s6;
	[tilespmem:s0+$0xD460] =	vst v3  }
0xc7: {  	[hbm4b:s28+s15] =	stream.strided.scatter [tilespmem:s19], [sflag:$0x3], $0x6800, s16, s15, $0x38;
	[tilespmem:$0x1D400] =	vst v63  }
0xc8: {  	s1 =	simm.s32 $0x0;
	s0 =	sadd.s32 s26, s7  }
0xc9: {  	[tilespmem:s1], [sflag:$0x1] =	stream.strided.gather [hbm4b:s0+s15], $0x6800, s16, s15, $0x38;
	[tilespmem:$0x1D400] =	vst v63  }
0xca: {  	_ =	swait.ge [sflag:s20], $0x6800  }
0xcb: {  	[sflag:s20] =	ssyncset.done $0x0  }
0xcc: {  	[sflag:s20] =	ssyncadd.s32 $0xFFFF9800  }
0xcd: {  	_ =	swait.ge [sflag:s23], $0x6800  }
0xce: {  	s0 =	sand.u32 $0x7800, s1;
	s1 =	sand.u32 $0x380, s1;
	[sflag:s23] =	ssyncset.done $0x0  }
0xcf: {  	s29 =	sor.u32 s1, s0;
	[sflag:s23] =	ssyncadd.s32 $0xFFFF9800  }
0xd0: {  	v0 =	vld [tilespmem:s29+$0x6C70]  }
0xd1: {  	v1 =	vld [tilespmem:s29+$0x6800]  }
0xd2: {  	v2 =	vld [tilespmem:s29+$0x6810]  }
0xd3: {  	v3 =	vld [tilespmem:s29+$0x6820]  }
0xd4: {  	v4 =	vld [tilespmem:s29+$0x6830]  }
0xd5: {  	v5 =	vld [tilespmem:s29+$0x6840];
	[tilespmem:s29+$0x13C70] =	vst v0  }
0xd6: {  	[tilespmem:s29+$0x13800] =	vst v1;
	v0 =	vld [tilespmem:s29+$0x6850]  }
0xd7: {  	[tilespmem:s29+$0x13810] =	vst v2;
	v1 =	vld [tilespmem:s29+$0x6860]  }
0xd8: {  	[tilespmem:s29+$0x13820] =	vst v3;
	v2 =	vld [tilespmem:s29+$0x6870]  }
0xd9: {  	[tilespmem:s29+$0x13830] =	vst v4;
	v4 =	vld [tilespmem:s29+$0x6C00]  }
0xda: {  	[tilespmem:s29+$0x13840] =	vst v5;
	v3 =	vld [tilespmem:s29+$0x6C10]  }
0xdb: {  	[tilespmem:s29+$0x13850] =	vst v0;
	v0 =	vld [tilespmem:s29+$0x6C20]  }
0xdc: {  	[tilespmem:s29+$0x13860] =	vst v1;
	v1 =	vld [tilespmem:s29+$0x6C30]  }
0xdd: {  	s30 =	simm.s32 $0x80;
	s1 =	simm.s32 $0x100;
	[tilespmem:s29+$0x13870] =	vst v2;
	v2 =	vld [tilespmem:s29+$0x6C40]  }
0xde: {  	s31 =	simm.s32 $0x200;
	s0 =	sand.u32 $0x7800, s1;
	s1 =	sand.u32 $0x380, s30;
	[tilespmem:s29+$0x13C00] =	vst v4;
	v4 =	vld [tilespmem:s29+$0x6C50]  }
.LBB2_9:
0xdf: {  	p0 =	sne.s32 s31, $0x6300;
	s0 =	sor.u32 s1, s0;
	[tilespmem:s29+$0x13C10] =	vst v3;
	v3 =	vld [tilespmem:s29+$0x6C60]  }
0xe0: {  	v5 =	vld [tilespmem:s0+$0x6C70];
	[tilespmem:s29+$0x13C20] =	vst v0  }
0xe1: {  	v0 =	vld [tilespmem:s0+$0x6800];
	[tilespmem:s29+$0x13C30] =	vst v1  }
0xe2: {  	v1 =	vld [tilespmem:s0+$0x6810];
	[tilespmem:s29+$0x13C40] =	vst v2  }
0xe3: {  	v2 =	vld [tilespmem:s0+$0x6820];
	[tilespmem:s29+$0x13C50] =	vst v4  }
0xe4: {  	v4 =	vld [tilespmem:s0+$0x6830];
	[tilespmem:s29+$0x13C60] =	vst v3;
	s29 =	smov.u32 s0  }
0xe5: {  	v3 =	vld [tilespmem:s29+$0x6840];
	[tilespmem:s29+$0x13C70] =	vst v5  }
0xe6: {  	[tilespmem:s29+$0x13800] =	vst v0;
	v0 =	vld [tilespmem:s29+$0x6850]  }
0xe7: {  	[tilespmem:s29+$0x13810] =	vst v1;
	v1 =	vld [tilespmem:s29+$0x6860]  }
0xe8: {  	[tilespmem:s29+$0x13820] =	vst v2;
	v2 =	vld [tilespmem:s29+$0x6870]  }
0xe9: {  	[tilespmem:s29+$0x13830] =	vst v4;
	v4 =	vld [tilespmem:s29+$0x6C00]  }
.Ltmp3:
0xea: {  	[tilespmem:s29+$0x13840] =	vst v3;
	v3 =	vld [tilespmem:s29+$0x6C10];
	(pc) =	sbr.rel @p0 .LBB2_9-.Ltmp3, $4  }
0xeb: {  	[tilespmem:s29+$0x13850] =	vst v0;
	v0 =	vld [tilespmem:s29+$0x6C20]  }
0xec: {  	[tilespmem:s29+$0x13860] =	vst v1;
	v1 =	vld [tilespmem:s29+$0x6C30]  }
0xed: {  	s30 =	sadd.s32 $0x80, s30;
	[tilespmem:s29+$0x13870] =	vst v2;
	v2 =	vld [tilespmem:s29+$0x6C40]  }
0xee: {  	s1 =	sand.u32 $0x380, s30;
	s0 =	sand.u32 $0x7800, s31;
	s31 =	sadd.s32 $0x100, s31;
	[tilespmem:s29+$0x13C00] =	vst v4;
	v4 =	vld [tilespmem:s29+$0x6C50]  }
0xef: {  	[tilespmem:s29+$0x13C10] =	vst v3;
	s0 =	sor.u32 s1, s0;
	v53 =	vld [tilespmem:s29+$0x6C60]  }
0xf0: {  	v5 =	vld [tilespmem:s0+$0x6C70];
	[tilespmem:s29+$0x13C20] =	vst v0  }
0xf1: {  	v0 =	vld [tilespmem:s0+$0x6800];
	[tilespmem:s29+$0x13C30] =	vst v1  }
0xf2: {  	v1 =	vld [tilespmem:s0+$0x6810];
	[tilespmem:s29+$0x13C40] =	vst v2  }
0xf3: {  	v2 =	vld [tilespmem:s0+$0x6820];
	[tilespmem:s29+$0x13C50] =	vst v4  }
0xf4: {  	v4 =	vld [tilespmem:s0+$0x6830];
	[tilespmem:s29+$0x13C60] =	vst v53  }
0xf5: {  	v3 =	vld [tilespmem:s0+$0x6840];
	[tilespmem:s0+$0x13C70] =	vst v5  }
0xf6: {  	v54 =	vld [tilespmem:s0+$0x6850];
	[tilespmem:s0+$0x13800] =	vst v0  }
0xf7: {  	v55 =	vld [tilespmem:s0+$0x6860];
	[tilespmem:s0+$0x13810] =	vst v1  }
0xf8: {  	v56 =	vld [tilespmem:s0+$0x6870];
	[tilespmem:s0+$0x13820] =	vst v2  }
0xf9: {  	v57 =	vld [tilespmem:s0+$0x6C00];
	[tilespmem:s0+$0x13830] =	vst v4  }
0xfa: {  	v58 =	vld [tilespmem:s0+$0x6C10];
	[tilespmem:s0+$0x13840] =	vst v3  }
0xfb: {  	v59 =	vld [tilespmem:s0+$0x6C20];
	[tilespmem:s0+$0x13850] =	vst v54  }
0xfc: {  	v60 =	vld [tilespmem:s0+$0x6C30];
	[tilespmem:s0+$0x13860] =	vst v55  }
0xfd: {  	v61 =	vld [tilespmem:s0+$0x6C40];
	[tilespmem:s0+$0x13870] =	vst v56  }
0xfe: {  	v62 =	vld [tilespmem:s0+$0x6C50];
	[tilespmem:s0+$0x13C00] =	vst v57  }
0xff: {  	v63 =	vld [tilespmem:s0+$0x6C60];
	[tilespmem:s0+$0x13C10] =	vst v58  }
0x100: {  	[tilespmem:s0+$0x13C20] =	vst v59  }
0x101: {  	s25 =	sadd.s32 $0x1, s25;
	[tilespmem:s0+$0x13C30] =	vst v60  }
0x102: {  	p0 =	sne.s32 s25, $0xF;
	[tilespmem:s0+$0x13C40] =	vst v61  }
.Ltmp4:
0x103: {  	[tilespmem:s0+$0x13C50] =	vst v62;
	(pc) =	sbr.rel @p0 .LBB2_6-.Ltmp4, $4  }
0x104: {  	s30 =	sadd.s32 $0x100, s28;
	[tilespmem:s0+$0x13C60] =	vst v63  }
0x105: {  	[hbm4b:s30+s15] =	stream.strided.scatter [tilespmem:s21], [sflag:$0x4], $0x6800, s16, s15, $0x38;
	[tilespmem:$0x1D400] =	vst v63  }
0x106: {  	s31 =	sadd.s32 s26, s9  }
0x107: {  	[tilespmem:s17], [sflag:$0x2] =	stream.strided.gather [hbm4b:s31+s15], $0x6800, s16, s15, $0x38;
	[tilespmem:$0x1D400] =	vst v63  }
0x108: {  	_ =	swait.ge [sflag:s18], $0x6800  }
0x109: {  	[sflag:s18] =	ssyncset.done $0x0  }
0x10a: {  	[sflag:s18] =	ssyncadd.s32 $0xFFFF9800  }
0x10b: {  	s0 =	simm.s32 $0x0;
	_ =	swait.ge [sflag:s22], $0x6800  }
0x10c: {  	s1 =	sand.u32 $0x7800, s0;
	s0 =	sand.u32 $0x380, s0;
	[sflag:s22] =	ssyncset.done $0x0  }
0x10d: {  	s25 =	sor.u32 s0, s1;
	[sflag:s22] =	ssyncadd.s32 $0xFFFF9800  }
0x10e: {  	v0 =	vld [tilespmem:s25+$0x470]  }
0x10f: {  	v1 =	vld [tilespmem:s25+$0x0]  }
0x110: {  	v2 =	vld [tilespmem:s25+$0x10]  }
0x111: {  	v3 =	vld [tilespmem:s25+$0x20]  }
0x112: {  	v4 =	vld [tilespmem:s25+$0x30]  }
0x113: {  	v5 =	vld [tilespmem:s25+$0x40];
	[tilespmem:s25+$0xD470] =	vst v0  }
0x114: {  	[tilespmem:s25+$0xD000] =	vst v1;
	v0 =	vld [tilespmem:s25+$0x50]  }
0x115: {  	[tilespmem:s25+$0xD010] =	vst v2;
	v1 =	vld [tilespmem:s25+$0x60]  }
0x116: {  	[tilespmem:s25+$0xD020] =	vst v3;
	v2 =	vld [tilespmem:s25+$0x70]  }
0x117: {  	[tilespmem:s25+$0xD030] =	vst v4;
	v4 =	vld [tilespmem:s25+$0x400]  }
0x118: {  	[tilespmem:s25+$0xD040] =	vst v5;
	v3 =	vld [tilespmem:s25+$0x410]  }
0x119: {  	[tilespmem:s25+$0xD050] =	vst v0;
	v0 =	vld [tilespmem:s25+$0x420]  }
0x11a: {  	[tilespmem:s25+$0xD060] =	vst v1;
	v1 =	vld [tilespmem:s25+$0x430]  }
0x11b: {  	s31 =	simm.s32 $0x100;
	s26 =	simm.s32 $0x80;
	[tilespmem:s25+$0xD070] =	vst v2;
	v2 =	vld [tilespmem:s25+$0x440]  }
0x11c: {  	s28 =	simm.s32 $0x200;
	s0 =	sand.u32 $0x7800, s31;
	s1 =	sand.u32 $0x380, s26;
	[tilespmem:s25+$0xD400] =	vst v4;
	v4 =	vld [tilespmem:s25+$0x450]  }
.LBB2_12:
0x11d: {  	p0 =	sne.s32 s28, $0x6300;
	s0 =	sor.u32 s1, s0;
	[tilespmem:s25+$0xD410] =	vst v3;
	v3 =	vld [tilespmem:s25+$0x460]  }
0x11e: {  	v5 =	vld [tilespmem:s0+$0x470];
	[tilespmem:s25+$0xD420] =	vst v0  }
0x11f: {  	v0 =	vld [tilespmem:s0+$0x0];
	[tilespmem:s25+$0xD430] =	vst v1  }
0x120: {  	v1 =	vld [tilespmem:s0+$0x10];
	[tilespmem:s25+$0xD440] =	vst v2  }
0x121: {  	v2 =	vld [tilespmem:s0+$0x20];
	[tilespmem:s25+$0xD450] =	vst v4  }
0x122: {  	v4 =	vld [tilespmem:s0+$0x30];
	[tilespmem:s25+$0xD460] =	vst v3;
	s25 =	smov.u32 s0  }
0x123: {  	v3 =	vld [tilespmem:s25+$0x40];
	[tilespmem:s25+$0xD470] =	vst v5  }
0x124: {  	[tilespmem:s25+$0xD000] =	vst v0;
	v0 =	vld [tilespmem:s25+$0x50]  }
0x125: {  	[tilespmem:s25+$0xD010] =	vst v1;
	v1 =	vld [tilespmem:s25+$0x60]  }
0x126: {  	[tilespmem:s25+$0xD020] =	vst v2;
	v2 =	vld [tilespmem:s25+$0x70]  }
0x127: {  	[tilespmem:s25+$0xD030] =	vst v4;
	v4 =	vld [tilespmem:s25+$0x400]  }
.Ltmp5:
0x128: {  	[tilespmem:s25+$0xD040] =	vst v3;
	v3 =	vld [tilespmem:s25+$0x410];
	(pc) =	sbr.rel @p0 .LBB2_12-.Ltmp5, $4  }
0x129: {  	[tilespmem:s25+$0xD050] =	vst v0;
	v0 =	vld [tilespmem:s25+$0x420]  }
0x12a: {  	[tilespmem:s25+$0xD060] =	vst v1;
	v1 =	vld [tilespmem:s25+$0x430]  }
0x12b: {  	s26 =	sadd.s32 $0x80, s26;
	[tilespmem:s25+$0xD070] =	vst v2;
	v2 =	vld [tilespmem:s25+$0x440]  }
0x12c: {  	s1 =	sand.u32 $0x380, s26;
	s0 =	sand.u32 $0x7800, s28;
	s28 =	sadd.s32 $0x100, s28;
	[tilespmem:s25+$0xD400] =	vst v4;
	v4 =	vld [tilespmem:s25+$0x450]  }
0x12d: {  	[tilespmem:s25+$0xD410] =	vst v3;
	s0 =	sor.u32 s1, s0;
	v3 =	vld [tilespmem:s25+$0x460]  }
0x12e: {  	v5 =	vld [tilespmem:s0+$0x470];
	[tilespmem:s25+$0xD420] =	vst v0  }
0x12f: {  	v0 =	vld [tilespmem:s0+$0x0];
	[tilespmem:s25+$0xD430] =	vst v1  }
0x130: {  	v1 =	vld [tilespmem:s0+$0x10];
	[tilespmem:s25+$0xD440] =	vst v2  }
0x131: {  	v2 =	vld [tilespmem:s0+$0x20];
	[tilespmem:s25+$0xD450] =	vst v4  }
0x132: {  	v4 =	vld [tilespmem:s0+$0x30];
	[tilespmem:s25+$0xD460] =	vst v3  }
0x133: {  	v3 =	vld [tilespmem:s0+$0x40];
	[tilespmem:s0+$0xD470] =	vst v5  }
0x134: {  	[tilespmem:s0+$0xD000] =	vst v0;
	v0 =	vld [tilespmem:s0+$0x50]  }
0x135: {  	[tilespmem:s0+$0xD010] =	vst v1;
	v1 =	vld [tilespmem:s0+$0x60]  }
0x136: {  	[tilespmem:s0+$0xD020] =	vst v2;
	v2 =	vld [tilespmem:s0+$0x70]  }
0x137: {  	[tilespmem:s0+$0xD030] =	vst v4;
	v4 =	vld [tilespmem:s0+$0x400]  }
0x138: {  	[tilespmem:s0+$0xD040] =	vst v3;
	v3 =	vld [tilespmem:s0+$0x410]  }
0x139: {  	[tilespmem:s0+$0xD050] =	vst v0;
	v0 =	vld [tilespmem:s0+$0x420]  }
0x13a: {  	[tilespmem:s0+$0xD060] =	vst v1;
	v1 =	vld [tilespmem:s0+$0x430]  }
0x13b: {  	[tilespmem:s0+$0xD070] =	vst v2;
	v2 =	vld [tilespmem:s0+$0x440]  }
0x13c: {  	[tilespmem:s0+$0xD400] =	vst v4;
	v4 =	vld [tilespmem:s0+$0x450]  }
0x13d: {  	[tilespmem:s0+$0xD410] =	vst v3;
	v3 =	vld [tilespmem:s0+$0x460]  }
0x13e: {  	[tilespmem:s0+$0xD420] =	vst v0  }
0x13f: {  	[tilespmem:s0+$0xD430] =	vst v1  }
0x140: {  	[tilespmem:s0+$0xD440] =	vst v2  }
0x141: {  	[tilespmem:s0+$0xD450] =	vst v4  }
0x142: {  	[tilespmem:s0+$0xD460] =	vst v3  }
0x143: {  	[hbm4b:s10+s15] =	stream.strided.scatter [tilespmem:s19], [sflag:$0x3], $0x6800, s16, s15, $0x38;
	[tilespmem:$0x1D400] =	vst v63  }
0x144: {  	_ =	swait.ge [sflag:s20], $0x6800  }
0x145: {  	[sflag:s20] =	ssyncset.done $0x0  }
0x146: {  	[sflag:s20] =	ssyncadd.s32 $0xFFFF9800  }
0x147: {  	s29 =	simm.s32 $0x0;
	_ =	swait.ge [sflag:s23], $0x6800  }
0x148: {  	s30 =	sand.u32 $0x7800, s29;
	s0 =	sand.u32 $0x380, s29;
	[sflag:s23] =	ssyncset.done $0x0  }
0x149: {  	s25 =	sor.u32 s0, s30;
	[sflag:s23] =	ssyncadd.s32 $0xFFFF9800  }
0x14a: {  	v0 =	vld [tilespmem:s25+$0x6C70]  }
0x14b: {  	v1 =	vld [tilespmem:s25+$0x6800]  }
0x14c: {  	v2 =	vld [tilespmem:s25+$0x6810]  }
0x14d: {  	v3 =	vld [tilespmem:s25+$0x6820]  }
0x14e: {  	v4 =	vld [tilespmem:s25+$0x6830]  }
0x14f: {  	v5 =	vld [tilespmem:s25+$0x6840];
	[tilespmem:s25+$0x13C70] =	vst v0  }
0x150: {  	[tilespmem:s25+$0x13800] =	vst v1;
	v0 =	vld [tilespmem:s25+$0x6850]  }
0x151: {  	[tilespmem:s25+$0x13810] =	vst v2;
	v1 =	vld [tilespmem:s25+$0x6860]  }
0x152: {  	[tilespmem:s25+$0x13820] =	vst v3;
	v2 =	vld [tilespmem:s25+$0x6870]  }
0x153: {  	[tilespmem:s25+$0x13830] =	vst v4;
	v4 =	vld [tilespmem:s25+$0x6C00]  }
0x154: {  	[tilespmem:s25+$0x13840] =	vst v5;
	v3 =	vld [tilespmem:s25+$0x6C10]  }
0x155: {  	[tilespmem:s25+$0x13850] =	vst v0;
	v0 =	vld [tilespmem:s25+$0x6C20]  }
0x156: {  	[tilespmem:s25+$0x13860] =	vst v1;
	v1 =	vld [tilespmem:s25+$0x6C30]  }
0x157: {  	s31 =	simm.s32 $0x100;
	s26 =	simm.s32 $0x80;
	[tilespmem:s25+$0x13870] =	vst v2;
	v2 =	vld [tilespmem:s25+$0x6C40]  }
0x158: {  	s28 =	simm.s32 $0x200;
	s1 =	sand.u32 $0x380, s26;
	s0 =	sand.u32 $0x7800, s31;
	[tilespmem:s25+$0x13C00] =	vst v4;
	v4 =	vld [tilespmem:s25+$0x6C50]  }
.LBB2_14:
0x159: {  	p0 =	sne.s32 s28, $0x6300;
	s0 =	sor.u32 s1, s0;
	[tilespmem:s25+$0x13C10] =	vst v3;
	v3 =	vld [tilespmem:s25+$0x6C60]  }
0x15a: {  	v5 =	vld [tilespmem:s0+$0x6C70];
	[tilespmem:s25+$0x13C20] =	vst v0  }
0x15b: {  	v0 =	vld [tilespmem:s0+$0x6800];
	[tilespmem:s25+$0x13C30] =	vst v1  }
0x15c: {  	v1 =	vld [tilespmem:s0+$0x6810];
	[tilespmem:s25+$0x13C40] =	vst v2  }
0x15d: {  	v2 =	vld [tilespmem:s0+$0x6820];
	[tilespmem:s25+$0x13C50] =	vst v4  }
0x15e: {  	v4 =	vld [tilespmem:s0+$0x6830];
	[tilespmem:s25+$0x13C60] =	vst v3;
	s25 =	smov.u32 s0  }
0x15f: {  	v3 =	vld [tilespmem:s25+$0x6840];
	[tilespmem:s25+$0x13C70] =	vst v5  }
0x160: {  	[tilespmem:s25+$0x13800] =	vst v0;
	v0 =	vld [tilespmem:s25+$0x6850]  }
0x161: {  	[tilespmem:s25+$0x13810] =	vst v1;
	v1 =	vld [tilespmem:s25+$0x6860]  }
0x162: {  	[tilespmem:s25+$0x13820] =	vst v2;
	v2 =	vld [tilespmem:s25+$0x6870]  }
0x163: {  	[tilespmem:s25+$0x13830] =	vst v4;
	v4 =	vld [tilespmem:s25+$0x6C00]  }
.Ltmp6:
0x164: {  	[tilespmem:s25+$0x13840] =	vst v3;
	v3 =	vld [tilespmem:s25+$0x6C10];
	(pc) =	sbr.rel @p0 .LBB2_14-.Ltmp6, $4  }
0x165: {  	[tilespmem:s25+$0x13850] =	vst v0;
	v0 =	vld [tilespmem:s25+$0x6C20]  }
0x166: {  	[tilespmem:s25+$0x13860] =	vst v1;
	v1 =	vld [tilespmem:s25+$0x6C30]  }
0x167: {  	s26 =	sadd.s32 $0x80, s26;
	[tilespmem:s25+$0x13870] =	vst v2;
	v2 =	vld [tilespmem:s25+$0x6C40]  }
0x168: {  	s1 =	sand.u32 $0x380, s26;
	s0 =	sand.u32 $0x7800, s28;
	s28 =	sadd.s32 $0x100, s28;
	[tilespmem:s25+$0x13C00] =	vst v4;
	v4 =	vld [tilespmem:s25+$0x6C50]  }
0x169: {  	[tilespmem:s25+$0x13C10] =	vst v3;
	s0 =	sor.u32 s1, s0;
	v53 =	vld [tilespmem:s25+$0x6C60]  }
0x16a: {  	v5 =	vld [tilespmem:s0+$0x6C70];
	[tilespmem:s25+$0x13C20] =	vst v0  }
0x16b: {  	v0 =	vld [tilespmem:s0+$0x6800];
	[tilespmem:s25+$0x13C30] =	vst v1  }
0x16c: {  	v1 =	vld [tilespmem:s0+$0x6810];
	[tilespmem:s25+$0x13C40] =	vst v2  }
0x16d: {  	v2 =	vld [tilespmem:s0+$0x6820];
	[tilespmem:s25+$0x13C50] =	vst v4  }
0x16e: {  	v4 =	vld [tilespmem:s0+$0x6830];
	[tilespmem:s25+$0x13C60] =	vst v53  }
0x16f: {  	v3 =	vld [tilespmem:s0+$0x6840];
	[tilespmem:s0+$0x13C70] =	vst v5  }
0x170: {  	v54 =	vld [tilespmem:s0+$0x6850];
	[tilespmem:s0+$0x13800] =	vst v0  }
0x171: {  	v55 =	vld [tilespmem:s0+$0x6860];
	[tilespmem:s0+$0x13810] =	vst v1  }
0x172: {  	v56 =	vld [tilespmem:s0+$0x6870];
	[tilespmem:s0+$0x13820] =	vst v2  }
0x173: {  	v57 =	vld [tilespmem:s0+$0x6C00];
	[tilespmem:s0+$0x13830] =	vst v4  }
0x174: {  	v58 =	vld [tilespmem:s0+$0x6C10];
	[tilespmem:s0+$0x13840] =	vst v3  }
0x175: {  	v59 =	vld [tilespmem:s0+$0x6C20];
	[tilespmem:s0+$0x13850] =	vst v54  }
0x176: {  	v60 =	vld [tilespmem:s0+$0x6C30];
	[tilespmem:s0+$0x13860] =	vst v55  }
0x177: {  	v61 =	vld [tilespmem:s0+$0x6C40];
	[tilespmem:s0+$0x13870] =	vst v56  }
0x178: {  	v62 =	vld [tilespmem:s0+$0x6C50];
	[tilespmem:s0+$0x13C00] =	vst v57  }
0x179: {  	v63 =	vld [tilespmem:s0+$0x6C60];
	[tilespmem:s0+$0x13C10] =	vst v58  }
0x17a: {  	[tilespmem:s0+$0x13C20] =	vst v59  }
0x17b: {  	[tilespmem:s0+$0x13C30] =	vst v60  }
0x17c: {  	[tilespmem:s0+$0x13C40] =	vst v61  }
0x17d: {  	[tilespmem:s0+$0x13C50] =	vst v62  }
0x17e: {  	s24 =	sadd.s32 $0x1, s24;
	[tilespmem:s0+$0x13C60] =	vst v63  }
0x17f: {  	[hbm4b:s11+s15] =	stream.strided.scatter [tilespmem:s21], [sflag:$0x4], $0x6800, s16, s15, $0x38;
	[tilespmem:$0x1D400] =	vst v63  }
0x180: {  	p0 =	sne.s32 s24, s12;
	_ =	swait.ge [sflag:s22], $0x6800  }
.Ltmp7:
0x181: {  	[sflag:s22] =	ssyncset.done $0x0;
	(pc) =	sbr.rel @p0 .LBB2_1-.Ltmp7, $4  }
0x182: {  	[sflag:s22] =	ssyncadd.s32 $0xFFFF9800  }
0x183: {  	_ =	swait.ge [sflag:s23], $0x6800  }
0x184: {  	[sflag:s23] =	ssyncset.done $0x0  }
0x185: {  	[sflag:s23] =	ssyncadd.s32 $0xFFFF9800  }
0x186: {  	_ =	sfence.sel $0x180000  }
0x187: {  	[bflag:$0x0] =	sbarrier.arrive $0xFFFF  }
0x188: {  	_ =	strace $0x90000047  }
0x189: {  	s0 =	stileid.u32;
	[bflag:$0x2] =	sbarrier.arrive $0xFFFF  }
0x18a: {  	p0 =	sne.s32 s0, $0x0;
	s0 =	rddreg [dreg:$0x3]  }
0x18b: {  	s0 =	sadd.s32 @!p0 $0x100000, s0  }
0x18c: {  	[sflag:s0] =	ssyncadd.tile.s32 @!p0 $0x1;
	_ =	shalt  }
.Lfunc_end2:
_tile_overlayer_lowered:
.L_overlay_start_2:
0x18d: {  	(tag) =	ssettag $0x2  }
0x18e: {  	s0 =	rddreg [dreg:$0x0];
	s2 =	stileid.u32  }
0x18f: {  	s1 =	rddreg [dreg:$0x1];
	p0 =	sne.s32 s2, $0x0  }
0x190: {  	s3 =	rddreg [dreg:$0x2];
	[bflag:$0x3] =	sbarrier.arrive $0xFFFF;
	s2 =	simm.s32 @!p0 $0x1C05  }
0x191: {  	[timem:s3], [sflag:s2] =	dma.local @!p0 [hbm:s0], s1  }
0x192: {  	s0 =	simm.s32 @!p0 $0x5  }
0x193: {  	_ =	swait.ge @!p0 [sflag:s0], s1  }
0x194: {  	s1 =	ssub.s32 @!p0 $0x0, s1;
	[sflag:s0] =	ssyncset.done @!p0 $0x0  }
0x195: {  	[sflag:s0] =	ssyncadd.s32 @!p0 s1  }
0x196: {  	[bflag:$0x3] =	sbarrier.arrive $0xFFFF  }
0x197: {  	_ =	shalt  }

</sc_bundles>
